<compile_context>
chip_gen: v7x
topology: tpu7x:2x2x1
jax: 0.10.2.dev20260603
libtpu: 0.0.44.dev20260713+nightly
codegen_flags: <defaults>
</compile_context>

<pallas_src>
import functools

import jax
import jax.numpy as jnp
from jax import lax
from jax.experimental import pallas as pl
from jax.experimental.pallas import tpu as pltpu
from jax.experimental.pallas import tpu_sc as plsc

B = 8
N = 8192
D = 768
K = 100
C = 20
ITERS = 25
ROWS = 64
LANES = 128
KP = 112

_SC_MESH = plsc.VectorSubcoreMesh(core_axis_name="c", subcore_axis_name="s")


def _topk_body(a0_ref, a1_ref, idx_ref, score_ref):
    x0 = a0_ref[...]
    x1 = a1_ref[...]
    m = jnp.maximum(x0, x1)
    e0 = jnp.exp(x0 - m)
    e1 = jnp.exp(x1 - m)
    score_ref[...] = e1 / (e0 + e1)
    lin = (lax.broadcasted_iota(jnp.int32, (B, ROWS, LANES), 1) * LANES
           + lax.broadcasted_iota(jnp.int32, (B, ROWS, LANES), 2))
    lane = lax.broadcasted_iota(jnp.int32, (B, LANES), 1)
    boff = lax.broadcasted_iota(jnp.int32, (B, LANES), 0) * N

    def step(j, acc):
        s = score_ref[...]
        mx = jnp.max(jnp.max(s, axis=2, keepdims=True), axis=1,
                     keepdims=True)
        cand = jnp.where(s == mx, lin, jnp.int32(1 << 30))
        idx = jnp.min(jnp.min(cand, axis=2, keepdims=True), axis=1,
                      keepdims=True)
        score_ref[...] = jnp.where(lin == idx, jnp.float32(-1.0), s)
        return jnp.where(lane == j, idx.reshape(B, 1), acc)

    acc = lax.fori_loop(0, K, step, jnp.zeros((B, LANES), jnp.int32))
    idx_ref[...] = (acc + boff)[:, :KP]


@functools.partial(
    pl.kernel,
    out_type=jax.ShapeDtypeStruct((B, KP, D), jnp.float32),
    mesh=_SC_MESH,
    scratch_types=[
        pltpu.VMEM((KP,), jnp.int32),
        pltpu.VMEM((KP, D), jnp.float32),
        pltpu.SemaphoreType.DMA,
    ],
)
def _sc_gather(idx_hbm, ptf_hbm, out_hbm, idx_v, rows_v, sem):
    wid = lax.axis_index("s") * 2 + lax.axis_index("c")

    @pl.when(wid < B)
    def _work():
        pltpu.sync_copy(idx_hbm.at[wid], idx_v)
        pltpu.async_copy(ptf_hbm.at[idx_v], rows_v, sem).wait()
        pltpu.sync_copy(rows_v, out_hbm.at[wid])


def _tc_kmeans_body(sel_ref, out_ref):
    sel = sel_ref[...]
    ones = jnp.ones((B * K, 1), jnp.float32)
    selx = jnp.concatenate([sel, ones], axis=1)
    col = lax.broadcasted_iota(jnp.int32, (B * K, B * C), 1)
    c0 = jnp.concatenate(
        [sel[b * K:b * K + C] for b in range(B)], axis=0)

    G = 4
    BPG = B // G
    colg = lax.broadcasted_iota(jnp.int32, (BPG * K, BPG * C), 1)
    rowbg = lax.broadcasted_iota(jnp.int32, (BPG * K, BPG * C), 0) // K
    validg = (colg // C) == rowbg

    def labels_of(centers):
        c2 = jnp.sum(centers * centers, axis=1, keepdims=True)
        cext = jnp.concatenate([-2.0 * centers, c2], axis=1)
        labs = []
        for g in range(G):
            d = lax.dot_general(
                selx[g * BPG * K:(g + 1) * BPG * K],
                cext[g * BPG * C:(g + 1) * BPG * C],
                (((1,), (1,)), ((), ())),
                precision=lax.Precision.HIGHEST,
                preferred_element_type=jnp.float32)
            d = jnp.where(validg, d, jnp.float32(jnp.inf))
            minv = jnp.min(d, axis=1, keepdims=True)
            labs.append(jnp.min(
                jnp.where(d == minv, colg, jnp.int32(1 << 30)),
                axis=1, keepdims=True) + g * BPG * C)
        return jnp.concatenate(labs, axis=0)

    def moments(lab):
        one = (lab == col).astype(jnp.float32)
        se = lax.dot_general(
            one, selx, (((0,), (0,)), ((), ())),
            preferred_element_type=jnp.float32)
        return se[:, :D], se[:, D:D + 1]

    def cond(st):
        i, _, _, changed = st
        return (i < ITERS) & changed

    def body(st):
        i, centers, lab_prev, _ = st
        lab = labels_of(centers)
        sums, counts = moments(lab)
        newc = jnp.where(counts > 0,
                         sums / jnp.maximum(counts, 1.0), centers)
        return (i + 1, newc, lab, jnp.any(lab != lab_prev))

    st0 = (jnp.int32(0), c0,
           jnp.full((B * K, 1), -1, jnp.int32), jnp.bool_(True))
    _, centers, _, _ = lax.while_loop(cond, body, st0)
    sums, counts = moments(labels_of(centers))
    cf = sums / jnp.maximum(counts, 1.0)
    norm = jnp.sqrt(jnp.sum(cf * cf, axis=1, keepdims=True))
    out_ref[...] = cf / jnp.maximum(norm, jnp.float32(1e-12))


def kernel(patch_token, anomaly_map, prompt_id):
    del prompt_id
    a0 = anomaly_map[:, :, 0].reshape(B, ROWS, LANES)
    a1 = anomaly_map[:, :, 1].reshape(B, ROWS, LANES)
    idx = pl.pallas_call(
        _topk_body,
        out_shape=jax.ShapeDtypeStruct((B, KP), jnp.int32),
        scratch_shapes=[pltpu.VMEM((B, ROWS, LANES), jnp.float32)],
    )(a0, a1)
    ptf = patch_token.reshape(B * N, D)
    sel = _sc_gather(idx, ptf)[:, :K, :]
    out = pl.pallas_call(
        _tc_kmeans_body,
        out_shape=jax.ShapeDtypeStruct((B * C, D), jnp.float32),
    )(sel.reshape(B * K, D))
    return out.reshape(B, C, D)

# --- scband reference (transcript-rebuilt; emitter-appended) ---
"""Pipeline reference for scband-mvpcl-10788957847983 (READ-ONLY COPY).

The authoritative reference and input builder live on the scoring server;
editing this copy changes nothing except your own understanding.
"""

import jax, jax.numpy as jnp
import numpy as np

K_CLUSTERS = 20
DETA_K = 2
PROMPT_NUM = 5
N_AGG = [(K_CLUSTERS - DETA_K * p) * 5 for p in range(PROMPT_NUM)]
KMEANS_ITERS = 25

PROMPT_ID_CONST = 0


def _kmeans_labels(x, n_clusters):
    # x: [M, D]; deterministic Lloyd's algorithm (stand-in for sklearn KMeans.fit_predict)
    centers = x[:n_clusters]
    for _ in range(KMEANS_ITERS):
        d = jnp.sum((x[:, None, :] - centers[None, :, :]) ** 2, axis=-1)
        labels = jnp.argmin(d, axis=1)
        one = jax.nn.one_hot(labels, n_clusters, dtype=x.dtype)
        sums = one.T @ x
        counts = jnp.sum(one, axis=0)[:, None]
        centers = jnp.where(counts > 0, sums / jnp.maximum(counts, 1.0), centers)
    d = jnp.sum((x[:, None, :] - centers[None, :, :]) ** 2, axis=-1)
    return jnp.argmin(d, axis=1)


def setup_inputs(seed: int = 0) -> dict:
    key = jax.random.key(seed)
    k1, k2 = jax.random.split(key)
    patch_token = jax.random.normal(k1, (8, 8192, 768), dtype=jnp.float32)
    anomaly_map = jax.random.normal(k2, (8, 8192, 2), dtype=jnp.float32)
    return {"patch_token": patch_token, "anomaly_map": anomaly_map, "prompt_id": 0}


def reference(patch_token, anomaly_map, prompt_id):
    am = jax.nn.softmax(anomaly_map, axis=2)[:, :, 1]
    am = am + jnp.asarray(prompt_id, am.dtype) * jnp.zeros((), am.dtype)
    k = min(am.shape[1], N_AGG[PROMPT_ID_CONST])
    _, topk_idx = jax.lax.top_k(am, k)
    sel = jnp.take_along_axis(patch_token, topk_idx[:, :, None], axis=1)
    n_clusters = K_CLUSTERS - DETA_K * PROMPT_ID_CONST

    def per_batch(xb):
        labels = _kmeans_labels(jax.lax.stop_gradient(xb), n_clusters)
        one = jax.nn.one_hot(labels, n_clusters, dtype=xb.dtype)
        sums = one.T @ xb
        counts = jnp.sum(one, axis=0)[:, None]
        centers = sums / jnp.maximum(counts, 1.0)
        return centers

    centers = jax.vmap(per_batch)(sel)
    norm = jnp.linalg.norm(centers, axis=-1, keepdims=True)
    centers = centers / jnp.maximum(norm, 1e-12)
    return centers

if __name__ == "__main__":
    import jax
    _d = setup_inputs()
    print(jax.jit(kernel)(*tuple(_d.values())))

</pallas_src>

<mosaic_0001>
#map = affine_map<(d0, d1) -> (0, 0)>
#map1 = affine_map<(d0, d1) -> (0, 0, 0)>
module attributes {stable_mosaic.version = 14 : i64} {
  func.func @_sc_gather(%arg0: i32, %arg1: i32, %arg2: memref<8x112xi32, #tpu.memory_space<hbm>>, %arg3: memref<65536x768xf32, #tpu.memory_space<hbm>>, %arg4: memref<8x112x768xf32, #tpu.memory_space<hbm>>, %arg5: memref<112xi32, #tpu.memory_space<vmem>>, %arg6: memref<112x768xf32, #tpu.memory_space<vmem>>, %arg7: memref<!tpu.dma_semaphore, #tpu.memory_space<semaphore_mem>>) attributes {dimension_semantics = [#tpu.dimension_semantics<core_parallel>, #tpu.dimension_semantics<subcore_parallel>], iteration_bounds = array<i64: 2, 16>, scalar_prefetch = 0 : i64, scratch_operands = 3 : i64, tpu.core_type = #tpu.core_type<sc_vector_subcore>, window_params = [{transform_indices = #map}, {transform_indices = #map}, {transform_indices = #map1}]} {
    %mul3A = arith.constant 2 : i32
    %mul3A_0 = arith.muli %arg1, %mul3A : i32
    %add3A = arith.addi %mul3A_0, %arg0 : i32
    %lt3A = arith.constant 8 : i32
    %lt3A_1 = arith.cmpi slt, %add3A, %lt3A : i32
    %convert_element_type3A = arith.extui %lt3A_1 : i1 to i32
    %cond3A = arith.constant 0 : i32
    %cond3A_2 = arith.cmpi ne, %convert_element_type3A, %cond3A : i32
    scf.if %cond3A_2 {
      "tpu.region"() ({
        %run_scoped3A = tpu.sem_alloc : memref<!tpu.dma_semaphore, #tpu.memory_space<semaphore_mem>>
        %dma_start3A_7 = arith.constant 0 : i32
        %dma_start3A_8 = tpu.memref_slice %arg2[%add3A, %dma_start3A_7] : memref<8x112xi32, #tpu.memory_space<hbm>> -> memref<1x112xi32, #tpu.memory_space<hbm>>
        %dma_start3A_9 = tpu.memref_squeeze %dma_start3A_8 : memref<1x112xi32, #tpu.memory_space<hbm>> -> memref<112xi32, #tpu.memory_space<hbm>>
        %dma_start3A_10 = arith.constant 0 : i32
        %dma_start3A_11 = tpu.memref_slice %arg2[%add3A, %dma_start3A_10] : memref<8x112xi32, #tpu.memory_space<hbm>> -> memref<1x112xi32, #tpu.memory_space<hbm>>
        %dma_start3A_12 = tpu.memref_squeeze %dma_start3A_11 : memref<1x112xi32, #tpu.memory_space<hbm>> -> memref<112xi32, #tpu.memory_space<hbm>>
        tpu.enqueue_dma source(%dma_start3A_12 : memref<112xi32, #tpu.memory_space<hbm>>) target(%arg5 : memref<112xi32, #tpu.memory_space<vmem>>) target_semaphore(%run_scoped3A : memref<!tpu.dma_semaphore, #tpu.memory_space<semaphore_mem>>)
        %dma_wait3A_13 = arith.constant 0 : i32
        %dma_wait3A_14 = tpu.memref_slice %arg2[%add3A, %dma_wait3A_13] : memref<8x112xi32, #tpu.memory_space<hbm>> -> memref<1x112xi32, #tpu.memory_space<hbm>>
        %dma_wait3A_15 = tpu.memref_squeeze %dma_wait3A_14 : memref<1x112xi32, #tpu.memory_space<hbm>> -> memref<112xi32, #tpu.memory_space<hbm>>
        %dma_wait3A_16 = arith.constant 0 : i32
        %dma_wait3A_17 = tpu.memref_slice %arg2[%add3A, %dma_wait3A_16] : memref<8x112xi32, #tpu.memory_space<hbm>> -> memref<1x112xi32, #tpu.memory_space<hbm>>
        %dma_wait3A_18 = tpu.memref_squeeze %dma_wait3A_17 : memref<1x112xi32, #tpu.memory_space<hbm>> -> memref<112xi32, #tpu.memory_space<hbm>>
        tpu.wait_dma2 semaphore(%run_scoped3A : memref<!tpu.dma_semaphore, #tpu.memory_space<semaphore_mem>>) src(%dma_wait3A_18 : memref<112xi32, #tpu.memory_space<hbm>>) dst(%arg5 : memref<112xi32, #tpu.memory_space<vmem>>)
        tpu.yield
      }) : () -> ()
      %dma_start3A = arith.constant 0 : i32
      %dma_start3A_3 = arith.constant 0 : i32
      %dma_start3A_4 = tpu.memref_slice %arg3[%dma_start3A, %dma_start3A_3] : memref<65536x768xf32, #tpu.memory_space<hbm>> -> memref<65536x768xf32, #tpu.memory_space<hbm>>
      tpu.enqueue_indirect_dma source(%dma_start3A_4 : memref<65536x768xf32, #tpu.memory_space<hbm>>) target(%arg6 : memref<112x768xf32, #tpu.memory_space<vmem>>) offsets(%arg5 : memref<112xi32, #tpu.memory_space<vmem>>) semaphore(%arg7 : memref<!tpu.dma_semaphore, #tpu.memory_space<semaphore_mem>>)
      %dma_wait3A = arith.constant 0 : i32
      %dma_wait3A_5 = arith.constant 0 : i32
      %dma_wait3A_6 = tpu.memref_slice %arg3[%dma_wait3A, %dma_wait3A_5] : memref<65536x768xf32, #tpu.memory_space<hbm>> -> memref<65536x768xf32, #tpu.memory_space<hbm>>
      tpu.wait_indirect_dma semaphore(%arg7 : memref<!tpu.dma_semaphore, #tpu.memory_space<semaphore_mem>>) src(%dma_wait3A_6 : memref<65536x768xf32, #tpu.memory_space<hbm>>) dst(%arg6 : memref<112x768xf32, #tpu.memory_space<vmem>>)
      "tpu.region"() ({
        %run_scoped3A = tpu.sem_alloc : memref<!tpu.dma_semaphore, #tpu.memory_space<semaphore_mem>>
        %dma_start3A_7 = arith.constant 0 : i32
        %dma_start3A_8 = arith.constant 0 : i32
        %dma_start3A_9 = tpu.memref_slice %arg4[%add3A, %dma_start3A_7, %dma_start3A_8] : memref<8x112x768xf32, #tpu.memory_space<hbm>> -> memref<1x112x768xf32, #tpu.memory_space<hbm>>
        %dma_start3A_10 = tpu.memref_squeeze %dma_start3A_9 : memref<1x112x768xf32, #tpu.memory_space<hbm>> -> memref<112x768xf32, #tpu.memory_space<hbm>>
        %dma_start3A_11 = arith.constant 0 : i32
        %dma_start3A_12 = arith.constant 0 : i32
        %dma_start3A_13 = tpu.memref_slice %arg4[%add3A, %dma_start3A_11, %dma_start3A_12] : memref<8x112x768xf32, #tpu.memory_space<hbm>> -> memref<1x112x768xf32, #tpu.memory_space<hbm>>
        %dma_start3A_14 = tpu.memref_squeeze %dma_start3A_13 : memref<1x112x768xf32, #tpu.memory_space<hbm>> -> memref<112x768xf32, #tpu.memory_space<hbm>>
        tpu.enqueue_dma source(%arg6 : memref<112x768xf32, #tpu.memory_space<vmem>>) target(%dma_start3A_14 : memref<112x768xf32, #tpu.memory_space<hbm>>) target_semaphore(%run_scoped3A : memref<!tpu.dma_semaphore, #tpu.memory_space<semaphore_mem>>)
        %dma_wait3A_15 = arith.constant 0 : i32
        %dma_wait3A_16 = arith.constant 0 : i32
        %dma_wait3A_17 = tpu.memref_slice %arg4[%add3A, %dma_wait3A_15, %dma_wait3A_16] : memref<8x112x768xf32, #tpu.memory_space<hbm>> -> memref<1x112x768xf32, #tpu.memory_space<hbm>>
        %dma_wait3A_18 = tpu.memref_squeeze %dma_wait3A_17 : memref<1x112x768xf32, #tpu.memory_space<hbm>> -> memref<112x768xf32, #tpu.memory_space<hbm>>
        %dma_wait3A_19 = arith.constant 0 : i32
        %dma_wait3A_20 = arith.constant 0 : i32
        %dma_wait3A_21 = tpu.memref_slice %arg4[%add3A, %dma_wait3A_19, %dma_wait3A_20] : memref<8x112x768xf32, #tpu.memory_space<hbm>> -> memref<1x112x768xf32, #tpu.memory_space<hbm>>
        %dma_wait3A_22 = tpu.memref_squeeze %dma_wait3A_21 : memref<1x112x768xf32, #tpu.memory_space<hbm>> -> memref<112x768xf32, #tpu.memory_space<hbm>>
        tpu.wait_dma2 semaphore(%run_scoped3A : memref<!tpu.dma_semaphore, #tpu.memory_space<semaphore_mem>>) src(%arg6 : memref<112x768xf32, #tpu.memory_space<vmem>>) dst(%dma_wait3A_22 : memref<112x768xf32, #tpu.memory_space<hbm>>)
        tpu.yield
      }) : () -> ()
    } else {
    }
    return
  }
}

module attributes {stable_mosaic.version = 14 : i64} {
  func.func @_topk_body(%arg0: memref<8x64x128xf32, #tpu.memory_space<vmem>>, %arg1: memref<8x64x128xf32, #tpu.memory_space<vmem>>, %arg2: memref<8x112xi32, #tpu.memory_space<vmem>>, %arg3: memref<8x64x128xf32, #tpu.memory_space<vmem>>) attributes {dimension_semantics = [], scalar_prefetch = 0 : i64, scratch_operands = 1 : i64, tpu.core_type = #tpu.core_type<tc>} {
    %get3A = arith.constant 0 : index
    %get3A_0 = arith.constant 0 : index
    %get3A_1 = arith.constant 0 : index
    %get3A_2 = vector.load %arg0[%get3A, %get3A_0, %get3A_1] : memref<8x64x128xf32, #tpu.memory_space<vmem>>, vector<8x64x128xf32>
    %get3A_3 = arith.constant 0 : index
    %get3A_4 = arith.constant 0 : index
    %get3A_5 = arith.constant 0 : index
    %get3A_6 = vector.load %arg1[%get3A_3, %get3A_4, %get3A_5] : memref<8x64x128xf32, #tpu.memory_space<vmem>>, vector<8x64x128xf32>
    %max3A = arith.maximumf %get3A_2, %get3A_6 : vector<8x64x128xf32>
    %sub3A = arith.subf %get3A_2, %max3A : vector<8x64x128xf32>
    %exp3A = math.exp %sub3A : vector<8x64x128xf32>
    %sub3A_7 = arith.subf %get3A_6, %max3A : vector<8x64x128xf32>
    %exp3A_8 = math.exp %sub3A_7 : vector<8x64x128xf32>
    %add3A = arith.addf %exp3A, %exp3A_8 : vector<8x64x128xf32>
    %div3A = arith.divf %exp3A_8, %add3A : vector<8x64x128xf32>
    %swap3A = arith.constant 0 : index
    %swap3A_9 = arith.constant 0 : index
    %swap3A_10 = arith.constant 0 : index
    %swap3A_11 = vector.load %arg3[%swap3A, %swap3A_9, %swap3A_10] : memref<8x64x128xf32, #tpu.memory_space<vmem>>, vector<8x64x128xf32>
    tpu.vector_store %arg3[%swap3A, %swap3A_9, %swap3A_10], %div3A {strides = array<i32>} : memref<8x64x128xf32, #tpu.memory_space<vmem>>, vector<8x64x128xf32>,
    %iota3A = tpu.iota {dimensions = array<i32: 1>} : vector<8x64x128xi32>
    %mul3A = arith.constant 128 : i32
    %mul3A_12 = vector.broadcast %mul3A : i32 to vector<8x64x128xi32>
    %mul3A_13 = arith.muli %iota3A, %mul3A_12 : vector<8x64x128xi32>
    %iota3A_14 = tpu.iota {dimensions = array<i32: 2>} : vector<8x64x128xi32>
    %add3A_15 = arith.addi %mul3A_13, %iota3A_14 : vector<8x64x128xi32>
    %iota3A_16 = tpu.iota {dimensions = array<i32: 1>} : vector<8x128xi32>
    %iota3A_17 = tpu.iota {dimensions = array<i32: 0>} : vector<8x128xi32>
    %mul3A_18 = arith.constant 8192 : i32
    %mul3A_19 = vector.broadcast %mul3A_18 : i32 to vector<8x128xi32>
    %mul3A_20 = arith.muli %iota3A_17, %mul3A_19 : vector<8x128xi32>
    %broadcast_in_dim3A = arith.constant 0 : i32
    %broadcast_in_dim3A_21 = vector.broadcast %broadcast_in_dim3A : i32 to vector<8x128xi32>
    %scan3A = arith.constant 0 : i32
    %scan3A_22 = arith.constant 100 : i32
    %scan3A_23 = arith.addi %scan3A, %scan3A_22 : i32
    %scan3A_24 = arith.constant 1 : i32
    %scan3A_25 = scf.for %scan3A_31 = %scan3A to %scan3A_23 step %scan3A_24 iter_args(%scan3A_32 = %broadcast_in_dim3A_21) -> (vector<8x128xi32>)  : i32 {
      %get3A_33 = arith.constant 0 : index
      %get3A_34 = arith.constant 0 : index
      %get3A_35 = arith.constant 0 : index
      %get3A_36 = vector.load %arg3[%get3A_33, %get3A_34, %get3A_35] : memref<8x64x128xf32, #tpu.memory_space<vmem>>, vector<8x64x128xf32>
      %reduce_max3A = arith.constant dense<0xFF800000> : vector<8x64xf32>
      %reduce_max3A_37 = vector.multi_reduction <maximumf>, %get3A_36, %reduce_max3A [2] : vector<8x64x128xf32> to vector<8x64xf32>
      %broadcast_in_dim3A_38 = vector.shape_cast %reduce_max3A_37 : vector<8x64xf32> to vector<8x64x1xf32>
      %reduce_max3A_39 = arith.constant dense<0xFF800000> : vector<8x1xf32>
      %reduce_max3A_40 = vector.multi_reduction <maximumf>, %broadcast_in_dim3A_38, %reduce_max3A_39 [1] : vector<8x64x1xf32> to vector<8x1xf32>
      %broadcast_in_dim3A_41 = vector.shape_cast %reduce_max3A_40 : vector<8x1xf32> to vector<8x1x1xf32>
      %eq3A = vector.broadcast %broadcast_in_dim3A_41 : vector<8x1x1xf32> to vector<8x64x128xf32>
      %eq3A_42 = arith.cmpf oeq, %get3A_36, %eq3A : vector<8x64x128xf32>
      %jit3A = arith.constant 1073741824 : i32
      %broadcast_in_dim3A_43 = vector.broadcast %jit3A : i32 to vector<8x64x128xi32>
      %select_n3A = arith.select %eq3A_42, %add3A_15, %broadcast_in_dim3A_43 : vector<8x64x128xi1>, vector<8x64x128xi32>
      %reduce_min3A = arith.constant dense<2147483647> : vector<8x64xi32>
      %reduce_min3A_44 = vector.multi_reduction <minsi>, %select_n3A, %reduce_min3A [2] : vector<8x64x128xi32> to vector<8x64xi32>
      %broadcast_in_dim3A_45 = vector.shape_cast %reduce_min3A_44 : vector<8x64xi32> to vector<8x64x1xi32>
      %reduce_min3A_46 = arith.constant dense<2147483647> : vector<8x1xi32>
      %reduce_min3A_47 = vector.multi_reduction <minsi>, %broadcast_in_dim3A_45, %reduce_min3A_46 [1] : vector<8x64x1xi32> to vector<8x1xi32>
      %broadcast_in_dim3A_48 = vector.shape_cast %reduce_min3A_47 : vector<8x1xi32> to vector<8x1x1xi32>
      %eq3A_49 = vector.broadcast %broadcast_in_dim3A_48 : vector<8x1x1xi32> to vector<8x64x128xi32>
      %eq3A_50 = arith.cmpi eq, %add3A_15, %eq3A_49 : vector<8x64x128xi32>
      %jit3A_51 = arith.constant -1.000000e+00 : f32
      %broadcast_in_dim3A_52 = vector.broadcast %jit3A_51 : f32 to vector<8x64x128xf32>
      %select_n3A_53 = arith.select %eq3A_50, %broadcast_in_dim3A_52, %get3A_36 : vector<8x64x128xi1>, vector<8x64x128xf32>
      %swap3A_54 = arith.constant 0 : index
      %swap3A_55 = arith.constant 0 : index
      %swap3A_56 = arith.constant 0 : index
      %swap3A_57 = vector.load %arg3[%swap3A_54, %swap3A_55, %swap3A_56] : memref<8x64x128xf32, #tpu.memory_space<vmem>>, vector<8x64x128xf32>
      tpu.vector_store %arg3[%swap3A_54, %swap3A_55, %swap3A_56], %select_n3A_53 {strides = array<i32>} : memref<8x64x128xf32, #tpu.memory_space<vmem>>, vector<8x64x128xf32>,
      %eq3A_58 = vector.broadcast %scan3A_31 : i32 to vector<8x128xi32>
      %eq3A_59 = arith.cmpi eq, %iota3A_16, %eq3A_58 : vector<8x128xi32>
      %reshape3A = vector.shape_cast %broadcast_in_dim3A_48 : vector<8x1x1xi32> to vector<8x1xi32>
      %broadcast_in_dim3A_60 = vector.shape_cast %reshape3A : vector<8x1xi32> to vector<8x1xi32>
      %broadcast_in_dim3A_61 = vector.broadcast %broadcast_in_dim3A_60 : vector<8x1xi32> to vector<8x128xi32>
      %select_n3A_62 = arith.select %eq3A_59, %broadcast_in_dim3A_61, %scan3A_32 : vector<8x128xi1>, vector<8x128xi32>
      scf.yield %select_n3A_62 : vector<8x128xi32>
    }
    %scan3A_26 = arith.constant 100 : i32
    %add3A_27 = arith.addi %scan3A_25, %mul3A_20 : vector<8x128xi32>
    %slice3A = vector.extract_strided_slice %add3A_27 {offsets = [0, 0], sizes = [8, 112], strides = [1, 1]} : vector<8x128xi32> to vector<8x112xi32>
    %swap3A_28 = arith.constant 0 : index
    %swap3A_29 = arith.constant 0 : index
    %swap3A_30 = vector.load %arg2[%swap3A_28, %swap3A_29] : memref<8x112xi32, #tpu.memory_space<vmem>>, vector<8x112xi32>
    tpu.vector_store %arg2[%swap3A_28, %swap3A_29], %slice3A {strides = array<i32>} : memref<8x112xi32, #tpu.memory_space<vmem>>, vector<8x112xi32>,
    return
  }
}

module attributes {stable_mosaic.version = 14 : i64} {
  func.func @_tc_kmeans_body(%arg0: memref<800x768xf32, #tpu.memory_space<vmem>>, %arg1: memref<160x768xf32, #tpu.memory_space<vmem>>) attributes {dimension_semantics = [], scalar_prefetch = 0 : i64, scratch_operands = 0 : i64, tpu.core_type = #tpu.core_type<tc>} {
    %get3A = arith.constant 0 : index
    %get3A_0 = arith.constant 0 : index
    %get3A_1 = vector.load %arg0[%get3A, %get3A_0] : memref<800x768xf32, #tpu.memory_space<vmem>>, vector<800x768xf32>
    %broadcast_in_dim3A = arith.constant 1.000000e+00 : f32
    %broadcast_in_dim3A_2 = vector.broadcast %broadcast_in_dim3A : f32 to vector<800x1xf32>
    %concatenate3A = tpu.concatenate %get3A_1, %broadcast_in_dim3A_2 in 1 : vector<800x768xf32>, vector<800x1xf32> -> vector<800x769xf32>
    %iota3A = tpu.iota {dimensions = array<i32: 1>} : vector<800x160xi32>
    %slice3A = vector.extract_strided_slice %get3A_1 {offsets = [0, 0], sizes = [20, 768], strides = [1, 1]} : vector<800x768xf32> to vector<20x768xf32>
    %slice3A_3 = vector.extract_strided_slice %get3A_1 {offsets = [100, 0], sizes = [20, 768], strides = [1, 1]} : vector<800x768xf32> to vector<20x768xf32>
    %slice3A_4 = vector.extract_strided_slice %get3A_1 {offsets = [200, 0], sizes = [20, 768], strides = [1, 1]} : vector<800x768xf32> to vector<20x768xf32>
    %slice3A_5 = vector.extract_strided_slice %get3A_1 {offsets = [300, 0], sizes = [20, 768], strides = [1, 1]} : vector<800x768xf32> to vector<20x768xf32>
    %slice3A_6 = vector.extract_strided_slice %get3A_1 {offsets = [400, 0], sizes = [20, 768], strides = [1, 1]} : vector<800x768xf32> to vector<20x768xf32>
    %slice3A_7 = vector.extract_strided_slice %get3A_1 {offsets = [500, 0], sizes = [20, 768], strides = [1, 1]} : vector<800x768xf32> to vector<20x768xf32>
    %slice3A_8 = vector.extract_strided_slice %get3A_1 {offsets = [600, 0], sizes = [20, 768], strides = [1, 1]} : vector<800x768xf32> to vector<20x768xf32>
    %slice3A_9 = vector.extract_strided_slice %get3A_1 {offsets = [700, 0], sizes = [20, 768], strides = [1, 1]} : vector<800x768xf32> to vector<20x768xf32>
    %concatenate3A_10 = tpu.concatenate %slice3A, %slice3A_3, %slice3A_4, %slice3A_5, %slice3A_6, %slice3A_7, %slice3A_8, %slice3A_9 in 0 : vector<20x768xf32>, vector<20x768xf32>, vector<20x768xf32>, vector<20x768xf32>, vector<20x768xf32>, vector<20x768xf32>, vector<20x768xf32>, vector<20x768xf32> -> vector<160x768xf32>
    %iota3A_11 = tpu.iota {dimensions = array<i32: 1>} : vector<200x40xi32>
    %iota3A_12 = tpu.iota {dimensions = array<i32: 0>} : vector<200x40xi32>
    %jit3A = arith.constant 100 : i32
    %div3A = vector.broadcast %jit3A : i32 to vector<200x40xi32>
    %div3A_13 = arith.divsi %iota3A_12, %div3A : vector<200x40xi32>
    %sign3A = arith.constant 0 : i32
    %sign3A_14 = vector.broadcast %sign3A : i32 to vector<200x40xi32>
    %sign3A_15 = arith.cmpi sgt, %iota3A_12, %sign3A_14 : vector<200x40xi32>
    %sign3A_16 = arith.extui %sign3A_15 : vector<200x40xi1> to vector<200x40xi32>
    %sign3A_17 = arith.constant 0 : i32
    %sign3A_18 = vector.broadcast %sign3A_17 : i32 to vector<200x40xi32>
    %sign3A_19 = arith.cmpi slt, %iota3A_12, %sign3A_18 : vector<200x40xi32>
    %sign3A_20 = arith.extui %sign3A_19 : vector<200x40xi1> to vector<200x40xi32>
    %sign3A_21 = arith.subi %sign3A_16, %sign3A_20 : vector<200x40xi32>
    %sign3A_22 = arith.constant 0 : i32
    %sign3A_23 = arith.cmpi sgt, %jit3A, %sign3A_22 : i32
    %sign3A_24 = arith.extui %sign3A_23 : i1 to i32
    %sign3A_25 = arith.constant 0 : i32
    %sign3A_26 = arith.cmpi slt, %jit3A, %sign3A_25 : i32
    %sign3A_27 = arith.extui %sign3A_26 : i1 to i32
    %sign3A_28 = arith.subi %sign3A_24, %sign3A_27 : i32
    %ne3A = vector.broadcast %sign3A_28 : i32 to vector<200x40xi32>
    %ne3A_29 = arith.cmpi ne, %sign3A_21, %ne3A : vector<200x40xi32>
    %rem3A = vector.broadcast %jit3A : i32 to vector<200x40xi32>
    %rem3A_30 = arith.remsi %iota3A_12, %rem3A : vector<200x40xi32>
    %ne3A_31 = arith.constant 0 : i32
    %ne3A_32 = vector.broadcast %ne3A_31 : i32 to vector<200x40xi32>
    %ne3A_33 = arith.cmpi ne, %rem3A_30, %ne3A_32 : vector<200x40xi32>
    %and3A = arith.andi %ne3A_29, %ne3A_33 : vector<200x40xi1>
    %sub3A = arith.constant 1 : i32
    %sub3A_34 = vector.broadcast %sub3A : i32 to vector<200x40xi32>
    %sub3A_35 = arith.subi %div3A_13, %sub3A_34 : vector<200x40xi32>
    %select_n3A = arith.select %and3A, %sub3A_35, %div3A_13 : vector<200x40xi1>, vector<200x40xi32>
    %jit3A_36 = arith.constant 20 : i32
    %div3A_37 = vector.broadcast %jit3A_36 : i32 to vector<200x40xi32>
    %div3A_38 = arith.divsi %iota3A_11, %div3A_37 : vector<200x40xi32>
    %sign3A_39 = arith.constant 0 : i32
    %sign3A_40 = vector.broadcast %sign3A_39 : i32 to vector<200x40xi32>
    %sign3A_41 = arith.cmpi sgt, %iota3A_11, %sign3A_40 : vector<200x40xi32>
    %sign3A_42 = arith.extui %sign3A_41 : vector<200x40xi1> to vector<200x40xi32>
    %sign3A_43 = arith.constant 0 : i32
    %sign3A_44 = vector.broadcast %sign3A_43 : i32 to vector<200x40xi32>
    %sign3A_45 = arith.cmpi slt, %iota3A_11, %sign3A_44 : vector<200x40xi32>
    %sign3A_46 = arith.extui %sign3A_45 : vector<200x40xi1> to vector<200x40xi32>
    %sign3A_47 = arith.subi %sign3A_42, %sign3A_46 : vector<200x40xi32>
    %sign3A_48 = arith.constant 0 : i32
    %sign3A_49 = arith.cmpi sgt, %jit3A_36, %sign3A_48 : i32
    %sign3A_50 = arith.extui %sign3A_49 : i1 to i32
    %sign3A_51 = arith.constant 0 : i32
    %sign3A_52 = arith.cmpi slt, %jit3A_36, %sign3A_51 : i32
    %sign3A_53 = arith.extui %sign3A_52 : i1 to i32
    %sign3A_54 = arith.subi %sign3A_50, %sign3A_53 : i32
    %ne3A_55 = vector.broadcast %sign3A_54 : i32 to vector<200x40xi32>
    %ne3A_56 = arith.cmpi ne, %sign3A_47, %ne3A_55 : vector<200x40xi32>
    %rem3A_57 = vector.broadcast %jit3A_36 : i32 to vector<200x40xi32>
    %rem3A_58 = arith.remsi %iota3A_11, %rem3A_57 : vector<200x40xi32>
    %ne3A_59 = arith.constant 0 : i32
    %ne3A_60 = vector.broadcast %ne3A_59 : i32 to vector<200x40xi32>
    %ne3A_61 = arith.cmpi ne, %rem3A_58, %ne3A_60 : vector<200x40xi32>
    %and3A_62 = arith.andi %ne3A_56, %ne3A_61 : vector<200x40xi1>
    %sub3A_63 = arith.constant 1 : i32
    %sub3A_64 = vector.broadcast %sub3A_63 : i32 to vector<200x40xi32>
    %sub3A_65 = arith.subi %div3A_38, %sub3A_64 : vector<200x40xi32>
    %select_n3A_66 = arith.select %and3A_62, %sub3A_65, %div3A_38 : vector<200x40xi1>, vector<200x40xi32>
    %eq3A = arith.cmpi eq, %select_n3A_66, %select_n3A : vector<200x40xi32>
    %broadcast_in_dim3A_67 = arith.constant -1 : i32
    %broadcast_in_dim3A_68 = vector.broadcast %broadcast_in_dim3A_67 : i32 to vector<800x1xi32>
    %while3A = arith.constant 0 : i32
    %while3A_69 = arith.constant true
    %while3A_70:4 = scf.while (%while3A_181 = %while3A, %while3A_182 = %concatenate3A_10, %while3A_183 = %broadcast_in_dim3A_68, %while3A_184 = %while3A_69) : (i32, vector<160x768xf32>, vector<800x1xi32>, i1) -> (i32, vector<160x768xf32>, vector<800x1xi32>, i1) {
      %lt3A = arith.constant 25 : i32
      %lt3A_185 = arith.cmpi slt, %while3A_181, %lt3A : i32
      %and3A_186 = arith.andi %lt3A_185, %while3A_184 : i1
      scf.condition(%and3A_186) %while3A_181, %while3A_182, %while3A_183, %while3A_184 : i32, vector<160x768xf32>, vector<800x1xi32>, i1
    } do {
    ^bb0(%while3A_181: i32, %while3A_182: vector<160x768xf32>, %while3A_183: vector<800x1xi32>, %while3A_184: i1):
      %mul3A_185 = arith.mulf %while3A_182, %while3A_182 : vector<160x768xf32>
      %reduce_sum3A_186 = arith.constant dense<0.000000e+00> : vector<160xf32>
      %reduce_sum3A_187 = vector.multi_reduction <add>, %mul3A_185, %reduce_sum3A_186 [1] : vector<160x768xf32> to vector<160xf32>
      %broadcast_in_dim3A_188 = vector.shape_cast %reduce_sum3A_187 : vector<160xf32> to vector<160x1xf32>
      %mul3A_189 = arith.constant -2.000000e+00 : f32
      %mul3A_190 = vector.broadcast %mul3A_189 : f32 to vector<160x768xf32>
      %mul3A_191 = arith.mulf %mul3A_190, %while3A_182 : vector<160x768xf32>
      %concatenate3A_192 = tpu.concatenate %mul3A_191, %broadcast_in_dim3A_188 in 1 : vector<160x768xf32>, vector<160x1xf32> -> vector<160x769xf32>
      %slice3A_193 = vector.extract_strided_slice %concatenate3A {offsets = [0, 0], sizes = [200, 769], strides = [1, 1]} : vector<800x769xf32> to vector<200x769xf32>
      %slice3A_194 = vector.extract_strided_slice %concatenate3A_192 {offsets = [0, 0], sizes = [40, 769], strides = [1, 1]} : vector<160x769xf32> to vector<40x769xf32>
      %dot_general3A_195 = arith.constant dense<0.000000e+00> : vector<200x40xf32>
      %dot_general3A_196 = tpu.matmul %slice3A_193, %slice3A_194, %dot_general3A_195 {dimension_numbers = #tpu.dot_dimension_numbers<[1], [1], [0], [0], [0, 0, 1, 0], [], []>, precision = #tpu.contract_precision<fp32>, transpose_lhs_hint = false} : vector<200x769xf32>, vector<40x769xf32>, vector<200x40xf32> -> vector<200x40xf32>
      %jit3A_197 = arith.constant 0x7F800000 : f32
      %broadcast_in_dim3A_198 = vector.broadcast %jit3A_197 : f32 to vector<200x40xf32>
      %select_n3A_199 = arith.select %eq3A, %dot_general3A_196, %broadcast_in_dim3A_198 : vector<200x40xi1>, vector<200x40xf32>
      %reduce_min3A_200 = arith.constant dense<0x7F800000> : vector<200xf32>
      %reduce_min3A_201 = vector.multi_reduction <minimumf>, %select_n3A_199, %reduce_min3A_200 [1] : vector<200x40xf32> to vector<200xf32>
      %broadcast_in_dim3A_202 = vector.shape_cast %reduce_min3A_201 : vector<200xf32> to vector<200x1xf32>
      %eq3A_203 = vector.broadcast %broadcast_in_dim3A_202 : vector<200x1xf32> to vector<200x40xf32>
      %eq3A_204 = arith.cmpf oeq, %select_n3A_199, %eq3A_203 : vector<200x40xf32>
      %jit3A_205 = arith.constant 1073741824 : i32
      %broadcast_in_dim3A_206 = vector.broadcast %jit3A_205 : i32 to vector<200x40xi32>
      %select_n3A_207 = arith.select %eq3A_204, %iota3A_11, %broadcast_in_dim3A_206 : vector<200x40xi1>, vector<200x40xi32>
      %reduce_min3A_208 = arith.constant dense<2147483647> : vector<200xi32>
      %reduce_min3A_209 = vector.multi_reduction <minsi>, %select_n3A_207, %reduce_min3A_208 [1] : vector<200x40xi32> to vector<200xi32>
      %broadcast_in_dim3A_210 = vector.shape_cast %reduce_min3A_209 : vector<200xi32> to vector<200x1xi32>
      %add3A_211 = arith.constant 0 : i32
      %add3A_212 = vector.broadcast %add3A_211 : i32 to vector<200x1xi32>
      %add3A_213 = arith.addi %broadcast_in_dim3A_210, %add3A_212 : vector<200x1xi32>
      %slice3A_214 = vector.extract_strided_slice %concatenate3A {offsets = [200, 0], sizes = [200, 769], strides = [1, 1]} : vector<800x769xf32> to vector<200x769xf32>
      %slice3A_215 = vector.extract_strided_slice %concatenate3A_192 {offsets = [40, 0], sizes = [40, 769], strides = [1, 1]} : vector<160x769xf32> to vector<40x769xf32>
      %dot_general3A_216 = arith.constant dense<0.000000e+00> : vector<200x40xf32>
      %dot_general3A_217 = tpu.matmul %slice3A_214, %slice3A_215, %dot_general3A_216 {dimension_numbers = #tpu.dot_dimension_numbers<[1], [1], [0], [0], [0, 0, 1, 0], [], []>, precision = #tpu.contract_precision<fp32>, transpose_lhs_hint = false} : vector<200x769xf32>, vector<40x769xf32>, vector<200x40xf32> -> vector<200x40xf32>
      %jit3A_218 = arith.constant 0x7F800000 : f32
      %broadcast_in_dim3A_219 = vector.broadcast %jit3A_218 : f32 to vector<200x40xf32>
      %select_n3A_220 = arith.select %eq3A, %dot_general3A_217, %broadcast_in_dim3A_219 : vector<200x40xi1>, vector<200x40xf32>
      %reduce_min3A_221 = arith.constant dense<0x7F800000> : vector<200xf32>
      %reduce_min3A_222 = vector.multi_reduction <minimumf>, %select_n3A_220, %reduce_min3A_221 [1] : vector<200x40xf32> to vector<200xf32>
      %broadcast_in_dim3A_223 = vector.shape_cast %reduce_min3A_222 : vector<200xf32> to vector<200x1xf32>
      %eq3A_224 = vector.broadcast %broadcast_in_dim3A_223 : vector<200x1xf32> to vector<200x40xf32>
      %eq3A_225 = arith.cmpf oeq, %select_n3A_220, %eq3A_224 : vector<200x40xf32>
      %jit3A_226 = arith.constant 1073741824 : i32
      %broadcast_in_dim3A_227 = vector.broadcast %jit3A_226 : i32 to vector<200x40xi32>
      %select_n3A_228 = arith.select %eq3A_225, %iota3A_11, %broadcast_in_dim3A_227 : vector<200x40xi1>, vector<200x40xi32>
      %reduce_min3A_229 = arith.constant dense<2147483647> : vector<200xi32>
      %reduce_min3A_230 = vector.multi_reduction <minsi>, %select_n3A_228, %reduce_min3A_229 [1] : vector<200x40xi32> to vector<200xi32>
      %broadcast_in_dim3A_231 = vector.shape_cast %reduce_min3A_230 : vector<200xi32> to vector<200x1xi32>
      %add3A_232 = arith.constant 40 : i32
      %add3A_233 = vector.broadcast %add3A_232 : i32 to vector<200x1xi32>
      %add3A_234 = arith.addi %broadcast_in_dim3A_231, %add3A_233 : vector<200x1xi32>
      %slice3A_235 = vector.extract_strided_slice %concatenate3A {offsets = [400, 0], sizes = [200, 769], strides = [1, 1]} : vector<800x769xf32> to vector<200x769xf32>
      %slice3A_236 = vector.extract_strided_slice %concatenate3A_192 {offsets = [80, 0], sizes = [40, 769], strides = [1, 1]} : vector<160x769xf32> to vector<40x769xf32>
      %dot_general3A_237 = arith.constant dense<0.000000e+00> : vector<200x40xf32>
      %dot_general3A_238 = tpu.matmul %slice3A_235, %slice3A_236, %dot_general3A_237 {dimension_numbers = #tpu.dot_dimension_numbers<[1], [1], [0], [0], [0, 0, 1, 0], [], []>, precision = #tpu.contract_precision<fp32>, transpose_lhs_hint = false} : vector<200x769xf32>, vector<40x769xf32>, vector<200x40xf32> -> vector<200x40xf32>
      %jit3A_239 = arith.constant 0x7F800000 : f32
      %broadcast_in_dim3A_240 = vector.broadcast %jit3A_239 : f32 to vector<200x40xf32>
      %select_n3A_241 = arith.select %eq3A, %dot_general3A_238, %broadcast_in_dim3A_240 : vector<200x40xi1>, vector<200x40xf32>
      %reduce_min3A_242 = arith.constant dense<0x7F800000> : vector<200xf32>
      %reduce_min3A_243 = vector.multi_reduction <minimumf>, %select_n3A_241, %reduce_min3A_242 [1] : vector<200x40xf32> to vector<200xf32>
      %broadcast_in_dim3A_244 = vector.shape_cast %reduce_min3A_243 : vector<200xf32> to vector<200x1xf32>
      %eq3A_245 = vector.broadcast %broadcast_in_dim3A_244 : vector<200x1xf32> to vector<200x40xf32>
      %eq3A_246 = arith.cmpf oeq, %select_n3A_241, %eq3A_245 : vector<200x40xf32>
      %jit3A_247 = arith.constant 1073741824 : i32
      %broadcast_in_dim3A_248 = vector.broadcast %jit3A_247 : i32 to vector<200x40xi32>
      %select_n3A_249 = arith.select %eq3A_246, %iota3A_11, %broadcast_in_dim3A_248 : vector<200x40xi1>, vector<200x40xi32>
      %reduce_min3A_250 = arith.constant dense<2147483647> : vector<200xi32>
      %reduce_min3A_251 = vector.multi_reduction <minsi>, %select_n3A_249, %reduce_min3A_250 [1] : vector<200x40xi32> to vector<200xi32>
      %broadcast_in_dim3A_252 = vector.shape_cast %reduce_min3A_251 : vector<200xi32> to vector<200x1xi32>
      %add3A_253 = arith.constant 80 : i32
      %add3A_254 = vector.broadcast %add3A_253 : i32 to vector<200x1xi32>
      %add3A_255 = arith.addi %broadcast_in_dim3A_252, %add3A_254 : vector<200x1xi32>
      %slice3A_256 = vector.extract_strided_slice %concatenate3A {offsets = [600, 0], sizes = [200, 769], strides = [1, 1]} : vector<800x769xf32> to vector<200x769xf32>
      %slice3A_257 = vector.extract_strided_slice %concatenate3A_192 {offsets = [120, 0], sizes = [40, 769], strides = [1, 1]} : vector<160x769xf32> to vector<40x769xf32>
      %dot_general3A_258 = arith.constant dense<0.000000e+00> : vector<200x40xf32>
      %dot_general3A_259 = tpu.matmul %slice3A_256, %slice3A_257, %dot_general3A_258 {dimension_numbers = #tpu.dot_dimension_numbers<[1], [1], [0], [0], [0, 0, 1, 0], [], []>, precision = #tpu.contract_precision<fp32>, transpose_lhs_hint = false} : vector<200x769xf32>, vector<40x769xf32>, vector<200x40xf32> -> vector<200x40xf32>
      %jit3A_260 = arith.constant 0x7F800000 : f32
      %broadcast_in_dim3A_261 = vector.broadcast %jit3A_260 : f32 to vector<200x40xf32>
      %select_n3A_262 = arith.select %eq3A, %dot_general3A_259, %broadcast_in_dim3A_261 : vector<200x40xi1>, vector<200x40xf32>
      %reduce_min3A_263 = arith.constant dense<0x7F800000> : vector<200xf32>
      %reduce_min3A_264 = vector.multi_reduction <minimumf>, %select_n3A_262, %reduce_min3A_263 [1] : vector<200x40xf32> to vector<200xf32>
      %broadcast_in_dim3A_265 = vector.shape_cast %reduce_min3A_264 : vector<200xf32> to vector<200x1xf32>
      %eq3A_266 = vector.broadcast %broadcast_in_dim3A_265 : vector<200x1xf32> to vector<200x40xf32>
      %eq3A_267 = arith.cmpf oeq, %select_n3A_262, %eq3A_266 : vector<200x40xf32>
      %jit3A_268 = arith.constant 1073741824 : i32
      %broadcast_in_dim3A_269 = vector.broadcast %jit3A_268 : i32 to vector<200x40xi32>
      %select_n3A_270 = arith.select %eq3A_267, %iota3A_11, %broadcast_in_dim3A_269 : vector<200x40xi1>, vector<200x40xi32>
      %reduce_min3A_271 = arith.constant dense<2147483647> : vector<200xi32>
      %reduce_min3A_272 = vector.multi_reduction <minsi>, %select_n3A_270, %reduce_min3A_271 [1] : vector<200x40xi32> to vector<200xi32>
      %broadcast_in_dim3A_273 = vector.shape_cast %reduce_min3A_272 : vector<200xi32> to vector<200x1xi32>
      %add3A_274 = arith.constant 120 : i32
      %add3A_275 = vector.broadcast %add3A_274 : i32 to vector<200x1xi32>
      %add3A_276 = arith.addi %broadcast_in_dim3A_273, %add3A_275 : vector<200x1xi32>
      %concatenate3A_277 = tpu.concatenate %add3A_213, %add3A_234, %add3A_255, %add3A_276 in 0 : vector<200x1xi32>, vector<200x1xi32>, vector<200x1xi32>, vector<200x1xi32> -> vector<800x1xi32>
      %eq3A_278 = vector.broadcast %concatenate3A_277 : vector<800x1xi32> to vector<800x160xi32>
      %eq3A_279 = arith.cmpi eq, %eq3A_278, %iota3A : vector<800x160xi32>
      %convert_element_type3A_280 = arith.extui %eq3A_279 : vector<800x160xi1> to vector<800x160xi32>
      %convert_element_type3A_281 = arith.sitofp %convert_element_type3A_280 : vector<800x160xi32> to vector<800x160xf32>
      %dot_general3A_282 = arith.constant dense<0.000000e+00> : vector<160x769xf32>
      %dot_general3A_283 = tpu.matmul %convert_element_type3A_281, %concatenate3A, %dot_general3A_282 {dimension_numbers = #tpu.dot_dimension_numbers<[0], [0], [1], [1], [0, 1, 1, 1], [], []>, transpose_lhs_hint = false} : vector<800x160xf32>, vector<800x769xf32>, vector<160x769xf32> -> vector<160x769xf32>
      %slice3A_284 = vector.extract_strided_slice %dot_general3A_283 {offsets = [0, 0], sizes = [160, 768], strides = [1, 1]} : vector<160x769xf32> to vector<160x768xf32>
      %slice3A_285 = vector.extract_strided_slice %dot_general3A_283 {offsets = [0, 768], sizes = [160, 1], strides = [1, 1]} : vector<160x769xf32> to vector<160x1xf32>
      %gt3A = arith.constant 0.000000e+00 : f32
      %gt3A_286 = vector.broadcast %gt3A : f32 to vector<160x1xf32>
      %gt3A_287 = arith.cmpf ogt, %slice3A_285, %gt3A_286 : vector<160x1xf32>
      %max3A_288 = arith.constant 1.000000e+00 : f32
      %max3A_289 = vector.broadcast %max3A_288 : f32 to vector<160x1xf32>
      %max3A_290 = arith.maximumf %slice3A_285, %max3A_289 : vector<160x1xf32>
      %div3A_291 = vector.broadcast %max3A_290 : vector<160x1xf32> to vector<160x768xf32>
      %div3A_292 = arith.divf %slice3A_284, %div3A_291 : vector<160x768xf32>
      %broadcast_in_dim3A_293 = vector.shape_cast %gt3A_287 : vector<160x1xi1> to vector<160x1xi1>
      %broadcast_in_dim3A_294 = vector.broadcast %broadcast_in_dim3A_293 : vector<160x1xi1> to vector<160x768xi1>
      %select_n3A_295 = arith.select %broadcast_in_dim3A_294, %div3A_292, %while3A_182 : vector<160x768xi1>, vector<160x768xf32>
      %add3A_296 = arith.constant 1 : i32
      %add3A_297 = arith.addi %while3A_181, %add3A_296 : i32
      %ne3A_298 = arith.cmpi ne, %concatenate3A_277, %while3A_183 : vector<800x1xi32>
      %reduce_or3A = arith.constant 1.000000e+00 : f32
      %reduce_or3A_299 = arith.constant 0.000000e+00 : f32
      %reduce_or3A_300 = vector.broadcast %reduce_or3A : f32 to vector<800x1xf32>
      %reduce_or3A_301 = vector.broadcast %reduce_or3A_299 : f32 to vector<800x1xf32>
      %reduce_or3A_302 = arith.select %ne3A_298, %reduce_or3A_300, %reduce_or3A_301 : vector<800x1xi1>, vector<800x1xf32>
      %reduce_or3A_303 = vector.shape_cast %reduce_or3A_302 : vector<800x1xf32> to vector<1x800x1xf32>
      %reduce_or3A_304 = arith.constant dense<0xFF800000> : vector<1xf32>
      %reduce_or3A_305 = vector.multi_reduction <maximumf>, %reduce_or3A_303, %reduce_or3A_304 [1, 2] : vector<1x800x1xf32> to vector<1xf32>
      %reduce_or3A_306 = vector.shape_cast %reduce_or3A_305 : vector<1xf32> to vector<1x1x1xf32>
      %reduce_or3A_307 = vector.extract %reduce_or3A_306[0, 0, 0] : f32 from vector<1x1x1xf32>
      %reduce_or3A_308 = arith.constant 0.000000e+00 : f32
      %reduce_or3A_309 = arith.cmpf ogt, %reduce_or3A_307, %reduce_or3A_308 : f32
      scf.yield %add3A_297, %select_n3A_295, %concatenate3A_277, %reduce_or3A_309 : i32, vector<160x768xf32>, vector<800x1xi32>, i1
    }
    %mul3A = arith.mulf %while3A_70#1, %while3A_70#1 : vector<160x768xf32>
    %reduce_sum3A = arith.constant dense<0.000000e+00> : vector<160xf32>
    %reduce_sum3A_71 = vector.multi_reduction <add>, %mul3A, %reduce_sum3A [1] : vector<160x768xf32> to vector<160xf32>
    %broadcast_in_dim3A_72 = vector.shape_cast %reduce_sum3A_71 : vector<160xf32> to vector<160x1xf32>
    %mul3A_73 = arith.constant -2.000000e+00 : f32
    %mul3A_74 = vector.broadcast %mul3A_73 : f32 to vector<160x768xf32>
    %mul3A_75 = arith.mulf %mul3A_74, %while3A_70#1 : vector<160x768xf32>
    %concatenate3A_76 = tpu.concatenate %mul3A_75, %broadcast_in_dim3A_72 in 1 : vector<160x768xf32>, vector<160x1xf32> -> vector<160x769xf32>
    %slice3A_77 = vector.extract_strided_slice %concatenate3A {offsets = [0, 0], sizes = [200, 769], strides = [1, 1]} : vector<800x769xf32> to vector<200x769xf32>
    %slice3A_78 = vector.extract_strided_slice %concatenate3A_76 {offsets = [0, 0], sizes = [40, 769], strides = [1, 1]} : vector<160x769xf32> to vector<40x769xf32>
    %dot_general3A = arith.constant dense<0.000000e+00> : vector<200x40xf32>
    %dot_general3A_79 = tpu.matmul %slice3A_77, %slice3A_78, %dot_general3A {dimension_numbers = #tpu.dot_dimension_numbers<[1], [1], [0], [0], [0, 0, 1, 0], [], []>, precision = #tpu.contract_precision<fp32>, transpose_lhs_hint = false} : vector<200x769xf32>, vector<40x769xf32>, vector<200x40xf32> -> vector<200x40xf32>
    %jit3A_80 = arith.constant 0x7F800000 : f32
    %broadcast_in_dim3A_81 = vector.broadcast %jit3A_80 : f32 to vector<200x40xf32>
    %select_n3A_82 = arith.select %eq3A, %dot_general3A_79, %broadcast_in_dim3A_81 : vector<200x40xi1>, vector<200x40xf32>
    %reduce_min3A = arith.constant dense<0x7F800000> : vector<200xf32>
    %reduce_min3A_83 = vector.multi_reduction <minimumf>, %select_n3A_82, %reduce_min3A [1] : vector<200x40xf32> to vector<200xf32>
    %broadcast_in_dim3A_84 = vector.shape_cast %reduce_min3A_83 : vector<200xf32> to vector<200x1xf32>
    %eq3A_85 = vector.broadcast %broadcast_in_dim3A_84 : vector<200x1xf32> to vector<200x40xf32>
    %eq3A_86 = arith.cmpf oeq, %select_n3A_82, %eq3A_85 : vector<200x40xf32>
    %jit3A_87 = arith.constant 1073741824 : i32
    %broadcast_in_dim3A_88 = vector.broadcast %jit3A_87 : i32 to vector<200x40xi32>
    %select_n3A_89 = arith.select %eq3A_86, %iota3A_11, %broadcast_in_dim3A_88 : vector<200x40xi1>, vector<200x40xi32>
    %reduce_min3A_90 = arith.constant dense<2147483647> : vector<200xi32>
    %reduce_min3A_91 = vector.multi_reduction <minsi>, %select_n3A_89, %reduce_min3A_90 [1] : vector<200x40xi32> to vector<200xi32>
    %broadcast_in_dim3A_92 = vector.shape_cast %reduce_min3A_91 : vector<200xi32> to vector<200x1xi32>
    %add3A = arith.constant 0 : i32
    %add3A_93 = vector.broadcast %add3A : i32 to vector<200x1xi32>
    %add3A_94 = arith.addi %broadcast_in_dim3A_92, %add3A_93 : vector<200x1xi32>
    %slice3A_95 = vector.extract_strided_slice %concatenate3A {offsets = [200, 0], sizes = [200, 769], strides = [1, 1]} : vector<800x769xf32> to vector<200x769xf32>
    %slice3A_96 = vector.extract_strided_slice %concatenate3A_76 {offsets = [40, 0], sizes = [40, 769], strides = [1, 1]} : vector<160x769xf32> to vector<40x769xf32>
    %dot_general3A_97 = arith.constant dense<0.000000e+00> : vector<200x40xf32>
    %dot_general3A_98 = tpu.matmul %slice3A_95, %slice3A_96, %dot_general3A_97 {dimension_numbers = #tpu.dot_dimension_numbers<[1], [1], [0], [0], [0, 0, 1, 0], [], []>, precision = #tpu.contract_precision<fp32>, transpose_lhs_hint = false} : vector<200x769xf32>, vector<40x769xf32>, vector<200x40xf32> -> vector<200x40xf32>
    %jit3A_99 = arith.constant 0x7F800000 : f32
    %broadcast_in_dim3A_100 = vector.broadcast %jit3A_99 : f32 to vector<200x40xf32>
    %select_n3A_101 = arith.select %eq3A, %dot_general3A_98, %broadcast_in_dim3A_100 : vector<200x40xi1>, vector<200x40xf32>
    %reduce_min3A_102 = arith.constant dense<0x7F800000> : vector<200xf32>
    %reduce_min3A_103 = vector.multi_reduction <minimumf>, %select_n3A_101, %reduce_min3A_102 [1] : vector<200x40xf32> to vector<200xf32>
    %broadcast_in_dim3A_104 = vector.shape_cast %reduce_min3A_103 : vector<200xf32> to vector<200x1xf32>
    %eq3A_105 = vector.broadcast %broadcast_in_dim3A_104 : vector<200x1xf32> to vector<200x40xf32>
    %eq3A_106 = arith.cmpf oeq, %select_n3A_101, %eq3A_105 : vector<200x40xf32>
    %jit3A_107 = arith.constant 1073741824 : i32
    %broadcast_in_dim3A_108 = vector.broadcast %jit3A_107 : i32 to vector<200x40xi32>
    %select_n3A_109 = arith.select %eq3A_106, %iota3A_11, %broadcast_in_dim3A_108 : vector<200x40xi1>, vector<200x40xi32>
    %reduce_min3A_110 = arith.constant dense<2147483647> : vector<200xi32>
    %reduce_min3A_111 = vector.multi_reduction <minsi>, %select_n3A_109, %reduce_min3A_110 [1] : vector<200x40xi32> to vector<200xi32>
    %broadcast_in_dim3A_112 = vector.shape_cast %reduce_min3A_111 : vector<200xi32> to vector<200x1xi32>
    %add3A_113 = arith.constant 40 : i32
    %add3A_114 = vector.broadcast %add3A_113 : i32 to vector<200x1xi32>
    %add3A_115 = arith.addi %broadcast_in_dim3A_112, %add3A_114 : vector<200x1xi32>
    %slice3A_116 = vector.extract_strided_slice %concatenate3A {offsets = [400, 0], sizes = [200, 769], strides = [1, 1]} : vector<800x769xf32> to vector<200x769xf32>
    %slice3A_117 = vector.extract_strided_slice %concatenate3A_76 {offsets = [80, 0], sizes = [40, 769], strides = [1, 1]} : vector<160x769xf32> to vector<40x769xf32>
    %dot_general3A_118 = arith.constant dense<0.000000e+00> : vector<200x40xf32>
    %dot_general3A_119 = tpu.matmul %slice3A_116, %slice3A_117, %dot_general3A_118 {dimension_numbers = #tpu.dot_dimension_numbers<[1], [1], [0], [0], [0, 0, 1, 0], [], []>, precision = #tpu.contract_precision<fp32>, transpose_lhs_hint = false} : vector<200x769xf32>, vector<40x769xf32>, vector<200x40xf32> -> vector<200x40xf32>
    %jit3A_120 = arith.constant 0x7F800000 : f32
    %broadcast_in_dim3A_121 = vector.broadcast %jit3A_120 : f32 to vector<200x40xf32>
    %select_n3A_122 = arith.select %eq3A, %dot_general3A_119, %broadcast_in_dim3A_121 : vector<200x40xi1>, vector<200x40xf32>
    %reduce_min3A_123 = arith.constant dense<0x7F800000> : vector<200xf32>
    %reduce_min3A_124 = vector.multi_reduction <minimumf>, %select_n3A_122, %reduce_min3A_123 [1] : vector<200x40xf32> to vector<200xf32>
    %broadcast_in_dim3A_125 = vector.shape_cast %reduce_min3A_124 : vector<200xf32> to vector<200x1xf32>
    %eq3A_126 = vector.broadcast %broadcast_in_dim3A_125 : vector<200x1xf32> to vector<200x40xf32>
    %eq3A_127 = arith.cmpf oeq, %select_n3A_122, %eq3A_126 : vector<200x40xf32>
    %jit3A_128 = arith.constant 1073741824 : i32
    %broadcast_in_dim3A_129 = vector.broadcast %jit3A_128 : i32 to vector<200x40xi32>
    %select_n3A_130 = arith.select %eq3A_127, %iota3A_11, %broadcast_in_dim3A_129 : vector<200x40xi1>, vector<200x40xi32>
    %reduce_min3A_131 = arith.constant dense<2147483647> : vector<200xi32>
    %reduce_min3A_132 = vector.multi_reduction <minsi>, %select_n3A_130, %reduce_min3A_131 [1] : vector<200x40xi32> to vector<200xi32>
    %broadcast_in_dim3A_133 = vector.shape_cast %reduce_min3A_132 : vector<200xi32> to vector<200x1xi32>
    %add3A_134 = arith.constant 80 : i32
    %add3A_135 = vector.broadcast %add3A_134 : i32 to vector<200x1xi32>
    %add3A_136 = arith.addi %broadcast_in_dim3A_133, %add3A_135 : vector<200x1xi32>
    %slice3A_137 = vector.extract_strided_slice %concatenate3A {offsets = [600, 0], sizes = [200, 769], strides = [1, 1]} : vector<800x769xf32> to vector<200x769xf32>
    %slice3A_138 = vector.extract_strided_slice %concatenate3A_76 {offsets = [120, 0], sizes = [40, 769], strides = [1, 1]} : vector<160x769xf32> to vector<40x769xf32>
    %dot_general3A_139 = arith.constant dense<0.000000e+00> : vector<200x40xf32>
    %dot_general3A_140 = tpu.matmul %slice3A_137, %slice3A_138, %dot_general3A_139 {dimension_numbers = #tpu.dot_dimension_numbers<[1], [1], [0], [0], [0, 0, 1, 0], [], []>, precision = #tpu.contract_precision<fp32>, transpose_lhs_hint = false} : vector<200x769xf32>, vector<40x769xf32>, vector<200x40xf32> -> vector<200x40xf32>
    %jit3A_141 = arith.constant 0x7F800000 : f32
    %broadcast_in_dim3A_142 = vector.broadcast %jit3A_141 : f32 to vector<200x40xf32>
    %select_n3A_143 = arith.select %eq3A, %dot_general3A_140, %broadcast_in_dim3A_142 : vector<200x40xi1>, vector<200x40xf32>
    %reduce_min3A_144 = arith.constant dense<0x7F800000> : vector<200xf32>
    %reduce_min3A_145 = vector.multi_reduction <minimumf>, %select_n3A_143, %reduce_min3A_144 [1] : vector<200x40xf32> to vector<200xf32>
    %broadcast_in_dim3A_146 = vector.shape_cast %reduce_min3A_145 : vector<200xf32> to vector<200x1xf32>
    %eq3A_147 = vector.broadcast %broadcast_in_dim3A_146 : vector<200x1xf32> to vector<200x40xf32>
    %eq3A_148 = arith.cmpf oeq, %select_n3A_143, %eq3A_147 : vector<200x40xf32>
    %jit3A_149 = arith.constant 1073741824 : i32
    %broadcast_in_dim3A_150 = vector.broadcast %jit3A_149 : i32 to vector<200x40xi32>
    %select_n3A_151 = arith.select %eq3A_148, %iota3A_11, %broadcast_in_dim3A_150 : vector<200x40xi1>, vector<200x40xi32>
    %reduce_min3A_152 = arith.constant dense<2147483647> : vector<200xi32>
    %reduce_min3A_153 = vector.multi_reduction <minsi>, %select_n3A_151, %reduce_min3A_152 [1] : vector<200x40xi32> to vector<200xi32>
    %broadcast_in_dim3A_154 = vector.shape_cast %reduce_min3A_153 : vector<200xi32> to vector<200x1xi32>
    %add3A_155 = arith.constant 120 : i32
    %add3A_156 = vector.broadcast %add3A_155 : i32 to vector<200x1xi32>
    %add3A_157 = arith.addi %broadcast_in_dim3A_154, %add3A_156 : vector<200x1xi32>
    %concatenate3A_158 = tpu.concatenate %add3A_94, %add3A_115, %add3A_136, %add3A_157 in 0 : vector<200x1xi32>, vector<200x1xi32>, vector<200x1xi32>, vector<200x1xi32> -> vector<800x1xi32>
    %eq3A_159 = vector.broadcast %concatenate3A_158 : vector<800x1xi32> to vector<800x160xi32>
    %eq3A_160 = arith.cmpi eq, %eq3A_159, %iota3A : vector<800x160xi32>
    %convert_element_type3A = arith.extui %eq3A_160 : vector<800x160xi1> to vector<800x160xi32>
    %convert_element_type3A_161 = arith.sitofp %convert_element_type3A : vector<800x160xi32> to vector<800x160xf32>
    %dot_general3A_162 = arith.constant dense<0.000000e+00> : vector<160x769xf32>
    %dot_general3A_163 = tpu.matmul %convert_element_type3A_161, %concatenate3A, %dot_general3A_162 {dimension_numbers = #tpu.dot_dimension_numbers<[0], [0], [1], [1], [0, 1, 1, 1], [], []>, transpose_lhs_hint = false} : vector<800x160xf32>, vector<800x769xf32>, vector<160x769xf32> -> vector<160x769xf32>
    %slice3A_164 = vector.extract_strided_slice %dot_general3A_163 {offsets = [0, 0], sizes = [160, 768], strides = [1, 1]} : vector<160x769xf32> to vector<160x768xf32>
    %slice3A_165 = vector.extract_strided_slice %dot_general3A_163 {offsets = [0, 768], sizes = [160, 1], strides = [1, 1]} : vector<160x769xf32> to vector<160x1xf32>
    %max3A = arith.constant 1.000000e+00 : f32
    %max3A_166 = vector.broadcast %max3A : f32 to vector<160x1xf32>
    %max3A_167 = arith.maximumf %slice3A_165, %max3A_166 : vector<160x1xf32>
    %div3A_168 = vector.broadcast %max3A_167 : vector<160x1xf32> to vector<160x768xf32>
    %div3A_169 = arith.divf %slice3A_164, %div3A_168 : vector<160x768xf32>
    %mul3A_170 = arith.mulf %div3A_169, %div3A_169 : vector<160x768xf32>
    %reduce_sum3A_171 = arith.constant dense<0.000000e+00> : vector<160xf32>
    %reduce_sum3A_172 = vector.multi_reduction <add>, %mul3A_170, %reduce_sum3A_171 [1] : vector<160x768xf32> to vector<160xf32>
    %broadcast_in_dim3A_173 = vector.shape_cast %reduce_sum3A_172 : vector<160xf32> to vector<160x1xf32>
    %sqrt3A = math.sqrt %broadcast_in_dim3A_173 : vector<160x1xf32>
    %max3A_174 = arith.constant 9.99999996E-13 : f32
    %max3A_175 = vector.broadcast %max3A_174 : f32 to vector<160x1xf32>
    %max3A_176 = arith.maximumf %sqrt3A, %max3A_175 : vector<160x1xf32>
    %div3A_177 = vector.broadcast %max3A_176 : vector<160x1xf32> to vector<160x768xf32>
    %div3A_178 = arith.divf %div3A_169, %div3A_177 : vector<160x768xf32>
    %swap3A = arith.constant 0 : index
    %swap3A_179 = arith.constant 0 : index
    %swap3A_180 = vector.load %arg1[%swap3A, %swap3A_179] : memref<160x768xf32, #tpu.memory_space<vmem>>, vector<160x768xf32>
    tpu.vector_store %arg1[%swap3A, %swap3A_179], %div3A_178 {strides = array<i32>} : memref<160x768xf32, #tpu.memory_space<vmem>>, vector<160x768xf32>,
    return
  }
}

</mosaic_0001>

<sc_bundles>
// kernel: kernel.5.cloned.1.call-start
scs
__scs_entry_jumppad:
0x0: {  	(pc) =	sbr.rel $0x88, $3  }
0x1: {  	(tag) =	ssettag $0x0;
	lr =	simm.s32 $0x1  }
0x2: {  	[smem:$0x3F9F] =	sst lr;
	_ =	strace $0xD0000000  }
0x3: {  	_ = 	snop  }
0x4: {  	_ = 	snop  }
0x5: {  	_ = 	snop  }
0x6: {  	_ = 	snop  }
0x7: {  	_ = 	snop  }
__scs_overlays_trampoline_lowered:
0x8: {  	[smem:$0x3FAE] =	sst s0  }
0x9: {  	[smem:$0x3FAF] =	sst s1  }
0xa: {  	[smem:$0x3FB0] =	sst s2  }
0xb: {  	[smem:$0x3FB1] =	sst s3  }
0xc: {  	[smem:$0x3FB2] =	sst s4  }
0xd: {  	[smem:$0x3FB3] =	sst s5  }
0xe: {  	[smem:$0x3FB4] =	sst s6  }
0xf: {  	[smem:$0x3FB5] =	sst s7  }
0x10: {  	[smem:$0x3FB6] =	sst s8  }
0x11: {  	[smem:$0x3FB7] =	sst s9;
	s0 =	simm.s32 @!p0 $0x0  }
0x12: {  	s1 =	sld [smem:$0x3F9D];
	s0 =	simm.s32 @p0 $0x1  }
0x13: {  	[smem:$0x3FB8] =	sst s0;
	s0 =	simm.s32 @!p1 $0x0  }
0x14: {  	s2 =	sld [smem:$0x3F9C];
	s0 =	simm.s32 @p1 $0x1  }
0x15: {  	[smem:$0x3FB9] =	sst s0;
	s0 =	simm.s32 @!p2 $0x0  }
0x16: {  	s3 =	sld [smem:$0x3FDB];
	s0 =	simm.s32 @p2 $0x1  }
0x17: {  	s4 =	simm.s32 $0x1BF5;
	[smem:$0x3FBB] =	sst s0  }
0x18: {  	s0 =	sld [smem:$0x3F9E];
	_ =	swait.ge [sflag:s4], $0x0  }
0x19: {  	s7 =	sld [smem:$0x3F9F]  }
0x1a: {  	s8 =	sadd.s32 $0xFFFFE003, lr  }
0x1b: {  	s9 =	sadd.s32 $0xFFFFFEF7, lr;
	s5 =	simm.s32 $0xFFFFFFFF;
	p2 =	slt.u32 s8, $0xFFFFF086  }
0x1c: {  	p1 =	slt.u32 s9, $0xF7A;
	s5 =	simm.s32 @!p2 $0x0  }
0x1d: {  	s5 =	simm.s32 @p1 $0x1;
	p0 =	seq.s32 s7, s2  }
0x1e: {  	s7 =	smul.u32 @!p0 $0xF7A, s2;
	p2 =	seq.s32 @!p0 s5, $0x0  }
0x1f: {  	s9 =	smul.u32 $0xF7A, s1;
	s8 =	simm.s32 @!p0 $0x1BF5;
	p2 =	por !p2, p0  }
0x20: {  	[sflag:s8] =	ssyncset.s32 @!p0 $0xFFFFF086;
	s6 =	sadd.s32 @!p0 s3, s7;
	s7 =	simm.s32 @!p0 $0x108  }
0x21: {  	s3 =	sadd.s32 s3, s9;
	s6 =	sadd.s32 @!p0 $0x88, s6;
	s7 =	simm.s32 @p2 $0x1082  }
0x22: {  	[simem:s7], [sflag:s8] =	dma.local @!p0 [hbm:s6], $0xF7A  }
0x23: {  	s9 =	sor.u32 $0xD0000000, s2;
	s6 =	simm.s32 $0x108;
	_ =	swait.ge @!p0 [sflag:s8], $0x0  }
0x24: {  	s3 =	sadd.s32 $0x88, s3;
	s6 =	simm.s32 @!p1 $0x1082;
	[sflag:s4] =	ssyncset.s32 $0xFFFFF086  }
0x25: {  	[simem:s6], [sflag:s4] =	dma.local [hbm:s3], $0xF7A  }
0x26: {  	[smem:$0x3F9F] =	sst s1;
	(tag) =	ssettag s2;
	_ =	strace s9  }
0x27: {  	s1 =	sld [smem:$0x3FAF]  }
0x28: {  	s2 =	sld [smem:$0x3FB0]  }
0x29: {  	s4 =	sld [smem:$0x3FB2]  }
0x2a: {  	p0 =	seq.s32 s5, $0x0;
	s5 =	sld [smem:$0x3FB3]  }
0x2b: {  	s6 =	sld [smem:$0x3FB4]  }
0x2c: {  	s7 =	sld [smem:$0x3FB5]  }
0x2d: {  	s3 =	simm.s32 $0x108;
	s8 =	sld [smem:$0x3FB6]  }
0x2e: {  	s3 =	simm.s32 @!p0 $0x1082;
	s9 =	sld [smem:$0x3FB7]  }
0x2f: {  	lr =	sadd.s32 s0, s3;
	s0 =	sld [smem:$0x3FAE]  }
0x30: {  	s3 =	sld [smem:$0x3FB1]  }
0x31: {  	[smem:$0x3FBA] =	sst s10  }
0x32: {  	s10 =	sld [smem:$0x3FB8];
	_ =	sdelay $0x3  }
0x33: {  	p0 =	seq.s32 s10, $0x1;
	s10 =	sld [smem:$0x3FBA];
	_ =	sdelay $0x3  }
0x34: {  	[smem:$0x3FBA] =	sst s10  }
0x35: {  	s10 =	sld [smem:$0x3FB9];
	_ =	sdelay $0x3  }
0x36: {  	p1 =	seq.s32 s10, $0x1;
	s10 =	sld [smem:$0x3FBA];
	_ =	sdelay $0x3  }
0x37: {  	[smem:$0x3FBA] =	sst s10  }
0x38: {  	s10 =	sld [smem:$0x3FBB]  }
0x39: {  	_ = 	snop;
	(pc) =	sbr.ind lr, $3  }
0x3a: {  	_ = 	snop  }
0x3b: {  	_ = 	snop  }
0x3c: {  	p2 =	seq.s32 s10, $0x1;
	s10 =	sld [smem:$0x3FBA]  }
0x3d: {  	_ =	shalt  }
0x3e: {  	_ =	shalt  }
0x3f: {  	_ =	shalt  }
0x40: {  	_ =	shalt  }
0x41: {  	_ =	shalt  }
0x42: {  	_ =	shalt  }
0x43: {  	_ =	shalt  }
0x44: {  	_ =	shalt  }
0x45: {  	_ =	shalt  }
0x46: {  	_ =	shalt  }
0x47: {  	_ =	shalt  }
0x48: {  	_ =	shalt  }
0x49: {  	_ =	shalt  }
0x4a: {  	_ =	shalt  }
0x4b: {  	_ =	shalt  }
0x4c: {  	_ =	shalt  }
0x4d: {  	_ =	shalt  }
0x4e: {  	_ =	shalt  }
0x4f: {  	_ =	shalt  }
0x50: {  	_ =	shalt  }
0x51: {  	_ =	shalt  }
0x52: {  	_ =	shalt  }
0x53: {  	_ =	shalt  }
0x54: {  	_ =	shalt  }
0x55: {  	_ =	shalt  }
0x56: {  	_ =	shalt  }
0x57: {  	_ =	shalt  }
0x58: {  	_ =	shalt  }
0x59: {  	_ =	shalt  }
0x5a: {  	_ =	shalt  }
0x5b: {  	_ =	shalt  }
0x5c: {  	_ =	shalt  }
0x5d: {  	_ =	shalt  }
0x5e: {  	_ =	shalt  }
0x5f: {  	_ =	shalt  }
0x60: {  	_ =	shalt  }
0x61: {  	_ =	shalt  }
0x62: {  	_ =	shalt  }
0x63: {  	_ =	shalt  }
0x64: {  	_ =	shalt  }
0x65: {  	_ =	shalt  }
0x66: {  	_ =	shalt  }
0x67: {  	_ =	shalt  }
0x68: {  	_ =	shalt  }
0x69: {  	_ =	shalt  }
0x6a: {  	_ =	shalt  }
0x6b: {  	_ =	shalt  }
0x6c: {  	_ =	shalt  }
0x6d: {  	_ =	shalt  }
0x6e: {  	_ =	shalt  }
0x6f: {  	_ =	shalt  }
0x70: {  	_ =	shalt  }
0x71: {  	_ =	shalt  }
0x72: {  	_ =	shalt  }
0x73: {  	_ =	shalt  }
0x74: {  	_ =	shalt  }
0x75: {  	_ =	shalt  }
0x76: {  	_ =	shalt  }
0x77: {  	_ =	shalt  }
0x78: {  	_ =	shalt  }
0x79: {  	_ =	shalt  }
0x7a: {  	_ =	shalt  }
0x7b: {  	_ =	shalt  }
0x7c: {  	_ =	shalt  }
0x7d: {  	_ =	shalt  }
0x7e: {  	_ =	shalt  }
0x7f: {  	_ =	shalt  }
0x80: {  	_ =	shalt  }
0x81: {  	_ =	shalt  }
0x82: {  	_ =	shalt  }
0x83: {  	_ =	shalt  }
0x84: {  	_ =	shalt  }
0x85: {  	_ =	shalt  }
0x86: {  	_ =	shalt  }
0x87: {  	_ =	shalt  }
.Lfunc_end0:
.L_simem_size_0:
called_computation_lowered:
.L_overlay_start_0:
0x88: {  	s2 =	sld [smem:$0x3FD9]  }
0x89: {  	s3 =	sld [smem:$0x3FFE];
	_ =	sdelay $0x1  }
0x8a: {  	s1 =	srdreg.scid  }
0x8b: {  	s0 =	sand.u32 $0x1, s1  }
0x8c: {  	s17 =	sshll.u32 s0, $0xA;
	s2 =	sadd.s32 s3, s2  }
0x8d: {  	s2 =	sadd.s32 s2, s17  }
0x8e: {  	[smem:$0x3FC6] =	sst s2  }
0x8f: {  	_ = 	snop  }
0x90: {  	s2 =	sld [smem:$0x3FC9]  }
0x91: {  	s18 =	sld [smem:$0x3FD0];
	(tm) =	ssettm $0x1  }
0x92: {  	s4 =	sld [smem:$0x3FFB];
	_ =	sdelay $0x3  }
0x93: {  	_ =	strace s4  }
0x94: {  	s4 =	sld [smem:$0x3FFC];
	_ =	sdelay $0x3  }
0x95: {  	_ =	strace s4  }
0x96: {  	s4 =	sld [smem:$0x3FFD];
	_ =	sdelay $0x3  }
0x97: {  	_ =	strace s4  }
0x98: {  	_ =	strace $0x8FFFFFFF  }
0x99: {  	s19 =	sld [smem:$0x3FDB];
	_ =	sdelay $0x1  }
0x9a: {  	s5 =	simm.s32 $_scs_section_size  }
0x9b: {  	s6 =	simm.s32 $_size__tile_overlayer_lowered;
	s7 =	simm.s32 $_tile_overlayer_lowered  }
0x9c: {  	s22 =	simm.s32 $0x1BFF;
	s21 =	sshll.u32 s7, $0x1;
	s4 =	sadd.s32 s5, s19  }
0x9d: {  	s8 =	simm.s32 $0x0;
	s20 =	sshll.u32 s6, $0x1;
	s6 =	sadd.s32 s21, s4  }
0x9e: {  	[timem:s8], [sflag:s22] =	dma.local [hbm:s6], s20  }
0x9f: {  	_ =	swait.ge [sflag:s22], s20  }
0xa0: {  	s5 =	ssub.s32 $0x0, s20;
	[sflag:s22] =	ssyncset.done $0x0  }
0xa1: {  	[sflag:s22] =	ssyncadd.s32 s5;
	_ =	sdelay $0x1  }
0xa2: {  	s23 =	simm.s32 $0x1B8B  }
0xa3: {  	_ =	swait.ge [sflag:s23], $0x1  }
0xa4: {  	[sflag:s23] =	ssyncset.done $0x0  }
0xa5: {  	s25 =	simm.s32 $0x1B8E;
	s24 =	sld [smem:$0x3FFE];
	[sflag:s23] =	ssyncadd.s32 $0xFFFFFFFF  }
0xa6: {  	s26 =	simm.s32 $execute0_lowered;
	[smem:$0x3FD2] =	sst s25  }
0xa7: {  	s6 =	sshll.u32 s26, $0x1;
	_ =	strace $0x80000046;
	[dreg:$0x1] =	wrdreg $0xFFFFFFFF  }
0xa8: {  	s28 =	simm.s32 $_size_execute0_lowered;
	s4 =	sadd.s32 s4, s6;
	[dreg:$0x0] =	wrdreg $0x0  }
0xa9: {  	s6 =	sshll.u32 s28, $0x1;
	[dreg:$0x2] =	wrdreg s4  }
0xaa: {  	[dreg:$0x3] =	wrdreg s6  }
0xab: {  	[dreg:$0x4] =	wrdreg $0xC0  }
0xac: {  	_ =	task [dreg:s8], $0x5FFFF  }
0xad: {  	[dreg:$0x1] =	wrdreg $0xFFFFFFFF  }
0xae: {  	[dreg:$0x0] =	wrdreg $0x60  }
0xaf: {  	[dreg:$0x2] =	wrdreg s18  }
0xb0: {  	[dreg:$0x3] =	wrdreg s2  }
0xb1: {  	[dreg:$0x4] =	wrdreg s24  }
0xb2: {  	[dreg:$0x5] =	wrdreg $0x9  }
0xb3: {  	_ =	task.clear_ibuf [dreg:s8], $0x6FFFF;
	_ =	strace $0x90000046  }
0xb4: {  	s29 =	simm.s32 $0x9;
	_ =	strace $0x80000048  }
0xb5: {  	_ =	swait.ge [sflag:s29], $0x1  }
0xb6: {  	[sflag:s29] =	ssyncadd.s32 $0xFFFFFFFF  }
0xb7: {  	_ =	strace $0x90000048  }
0xb8: {  	_ =	sfence  }
0xb9: {  	s30 =	sld [smem:$0x0];
	_ =	sdelay $0x2  }
0xba: {  	s31 =	sshll.u32 s1, $0xD;
	s1 =	sshrl.u32 s1, $0x2  }
0xbb: {  	s3 =	sand.u32 $0x4000, s31;
	s1 =	sadd.s32 s1, s30  }
0xbc: {  	s0 =	sor.u32 s3, s0;
	s1 =	sshll.u32 s1, $0x11  }
0xbd: {  	s0 =	sor.u32 s1, s0  }
0xbe: {  	s0 =	sadd.s32 $0x8F2B, s0  }
0xbf: {  	[sflag:s0] =	ssyncadd.remote.s32 $0x1  }
0xc0: {  	_ =	sfence.sel $0xFFFF  }
0xc1: {  	[dreg:$0x0] =	wrdreg $0xFFFFFFFF;
	(pc) =	sbr.abs _section_cstart, $3  }
0xc2: {  	[dreg:$0x1] =	wrdreg $0xFFFFFFFF  }
0xc3: {  	_ =	task.clear_ibuf [dreg:s8], $0x2FFFF;
	_ =	strace $0x9FFFFFFF  }
0xc4: {  	(tm) =	ssettm $0x7FFFFFFF  }
0xc5: {  	_ =	shalt  }
tec
execute0_lowered:
.L_overlay_start_1:
0x0: {  	(tag) =	ssettag $0x1  }
0x1: {  	s1 =	stileid.u32  }
0x2: {  	p0 =	sgt.u32 s1, $0x3  }
.Ltmp0:
0x3: {  	_ = 	snop;
	(pc) =	sbr.rel @p0 .LBB2_3-.Ltmp0, $4  }
0x4: {  	s0 =	rddreg [dreg:$0x0]  }
0x5: {  	s2 =	rddreg [dreg:$0x1];
	s3 =	simm.s32 $0x0  }
0x6: {  	[smem:$0x7FF] =	sst s3  }
0x7: {  	s4 =	rddreg [dreg:$0x2];
	_ =	strace $0x80000047  }
0x8: {  	s8 =	simm.s32 $0x1080  }
0x9: {  	s9 =	simm.s32 $0x1880;
	[dreg:$0x7] =	wrdreg s8  }
0xa: {  	s10 =	simm.s32 $0x2080;
	[dreg:$0x8] =	wrdreg s9  }
0xb: {  	s11 =	simm.s32 $0x2880;
	[dreg:$0x9] =	wrdreg s10  }
0xc: {  	s12 =	simm.s32 $0x3080;
	[dreg:$0xa] =	wrdreg s11  }
0xd: {  	s13 =	simm.s32 $0x3880;
	[dreg:$0xb] =	wrdreg s12  }
0xe: {  	s14 =	simm.s32 $0x4080;
	[dreg:$0xc] =	wrdreg s13  }
0xf: {  	s15 =	simm.s32 $0x4880;
	[dreg:$0xd] =	wrdreg s14  }
0x10: {  	s16 =	simm.s32 $0x5080;
	[dreg:$0xe] =	wrdreg s15  }
0x11: {  	s5 =	srdreg.scid;
	s17 =	simm.s32 $0x5880;
	[dreg:$0xf] =	wrdreg s16  }
0x12: {  	s1 =	stileid.u32;
	s18 =	simm.s32 $0x6080;
	[dreg:$0x10] =	wrdreg s17  }
0x13: {  	s19 =	simm.s32 $0x6880;
	s20 =	simm.s32 $0x7080;
	[dreg:$0x11] =	wrdreg s18  }
0x14: {  	s22 =	simm.s32 $0x7880;
	s23 =	simm.s32 $0x8080;
	[dreg:$0x12] =	wrdreg s19  }
0x15: {  	s24 =	simm.s32 $0x8880;
	s25 =	simm.s32 $0x9080;
	[dreg:$0x13] =	wrdreg s20  }
0x16: {  	s26 =	simm.s32 $0x9880;
	s28 =	simm.s32 $0x13080;
	[dreg:$0x14] =	wrdreg s22  }
0x17: {  	s29 =	simm.s32 $0x13880;
	s30 =	simm.s32 $0x14080;
	[dreg:$0x15] =	wrdreg s23  }
0x18: {  	s31 =	simm.s32 $0x14880;
	s6 =	sand.u32 $0x1, s5;
	[dreg:$0x16] =	wrdreg s24  }
0x19: {  	s1 =	sshll.u32 s1, $0x1;
	s8 =	simm.s32 $0x80;
	[dreg:$0x17] =	wrdreg s25  }
0x1a: {  	[dreg:$0x18] =	wrdreg s26;
	s10 =	simm.s32 $0xA880;
	s11 =	simm.s32 $0xB080  }
0x1b: {  	s12 =	simm.s32 $0xB880;
	s13 =	simm.s32 $0xC080;
	s14 =	simm.s32 $0xC880  }
0x1c: {  	s15 =	simm.s32 $0xD080;
	s16 =	simm.s32 $0xD880;
	s17 =	simm.s32 $0xE080  }
0x1d: {  	s18 =	simm.s32 $0xE880;
	s19 =	simm.s32 $0xF080;
	s20 =	simm.s32 $0xF880  }
0x1e: {  	s22 =	simm.s32 $0x10880;
	s23 =	simm.s32 $0x11080;
	s24 =	simm.s32 $0x11880  }
0x1f: {  	s25 =	simm.s32 $0x12080;
	s26 =	simm.s32 $0x12880;
	s5 =	sor.u32 s6, s1  }
0x20: {  	s6 =	ssub.s32 $0x2, s6;
	s7 =	smul.u32 $0x2A00, s5;
	s5 =	sshll.u32 s5, $0x4  }
0x21: {  	s21 =	sshrl.u32 s6, $0x1;
	s0 =	sadd.s32 s0, s5;
	s5 =	sadd.s32 $0x200, s2  }
0x22: {  	s6 =	ssub.s32 s6, s21;
	s21 =	simm.s32 $0x10080;
	s4 =	sadd.s32 s7, s4  }
0x23: {  	v2 =	vlaneseq.u32;
	[dreg:$0x5] =	wrdreg s0;
	s7 =	simm.s32 $0x880;
	s6 =	smax.u32 s6, $0x1  }
0x24: {  	vm0 =	vmmov $0xffff;
	v1 =	vshrl.u32 v2, $0x3;
	s0 =	simm.s32 $0x1;
	s4 =	sadd.s32 $0xC00, s4;
	[dreg:$0x6] =	wrdreg s7  }
0x25: {  	v0 =	vand.u32 $0x7, v2;
	v2 =	vor.u32 $0x8, v2;
	v1 =	vmul.u32 $0x8, v1;
	s7 =	simm.s32 $0x2;
	[dreg:$0x4] =	wrdreg s4;
	s4 =	sadd.s32 $0x100, s2  }
.LBB2_2:
0x26: {  	s1 =	rddreg [dreg:$0x5]  }
0x27: {  	[tilespmem:s3], [sflag:$0x2] =	stream.linear.gather [hbm4b:s1+s3], $0x80, $0x38;
	[tilespmem:$0x15080] =	vst v63  }
0x28: {  	_ =	swait.ge [sflag:s7], $0x80  }
0x29: {  	[sflag:s7] =	ssyncset.done $0x0  }
0x2a: {  	[sflag:s7] =	ssyncadd.s32 $0xFFFFFF80  }
0x2b: {  	v3 =	vld [tilespmem:$0x0];
	_ =	sdelay $0x4  }
0x2c: {  	v4 =	vshrl.u32 v3, $0x3  }
0x2d: {  	v4 =	vmul.u32 $0x30, v4  }
0x2e: {  	v3 =	vand.u32 $0x7, v3  }
0x2f: {  	v3 =	vor.u32 v3, v4  }
0x30: {  	v4 =	vperm.xlane v3, v0;
	_ =	sdelay $0x1  }
0x31: {  	v4 =	vadd.s32 v1, v4;
	_ =	sdelay $0x3  }
0x32: {  	v3 =	vperm.xlane v3, v2  }
0x33: {  	[tilespmem:s8], [sflag:$0x1] =	stream.indirect_vreg.gather [hbm4b:s2+s3], $0x80, v4, vm0, $0xb8;
	[tilespmem:$0x15080] =	vst v63  }
0x34: {  	s1 =	rddreg [dreg:$0x6];
	v3 =	vadd.s32 v1, v3  }
0x35: {  	[tilespmem:s1], [sflag:$0x1] =	stream.indirect_vreg.gather [hbm4b:s4+s3], $0x80, v4, vm0, $0xb8;
	[tilespmem:$0x15080] =	vst v63  }
0x36: {  	s9 =	rddreg [dreg:$0x7]  }
0x37: {  	[tilespmem:s9], [sflag:$0x1] =	stream.indirect_vreg.gather [hbm4b:s5+s3], $0x80, v4, vm0, $0xb8;
	[tilespmem:$0x15080] =	vst v63  }
0x38: {  	s1 =	rddreg [dreg:$0x8]  }
0x39: {  	[tilespmem:s1], [sflag:$0x1] =	stream.indirect_vreg.gather [hbm4b:s2+s3], $0x80, v3, vm0, $0xb8;
	[tilespmem:$0x15080] =	vst v63  }
0x3a: {  	s9 =	rddreg [dreg:$0x9]  }
0x3b: {  	[tilespmem:s9], [sflag:$0x1] =	stream.indirect_vreg.gather [hbm4b:s4+s3], $0x80, v3, vm0, $0xb8;
	[tilespmem:$0x15080] =	vst v63  }
0x3c: {  	s1 =	rddreg [dreg:$0xa]  }
0x3d: {  	[tilespmem:s1], [sflag:$0x1] =	stream.indirect_vreg.gather [hbm4b:s5+s3], $0x80, v3, vm0, $0xb8;
	[tilespmem:$0x15080] =	vst v63  }
0x3e: {  	v3 =	vld [tilespmem:$0x10];
	_ =	sdelay $0x4  }
0x3f: {  	v58 =	vshrl.u32 v3, $0x3  }
0x40: {  	v4 =	vmul.u32 $0x30, v58  }
0x41: {  	v3 =	vand.u32 $0x7, v3  }
0x42: {  	v3 =	vor.u32 v3, v4  }
0x43: {  	v4 =	vperm.xlane v3, v0;
	_ =	sdelay $0x1  }
0x44: {  	v4 =	vadd.s32 v1, v4;
	_ =	sdelay $0x3  }
0x45: {  	s1 =	rddreg [dreg:$0xb];
	v3 =	vperm.xlane v3, v2  }
0x46: {  	[tilespmem:s1], [sflag:$0x1] =	stream.indirect_vreg.gather [hbm4b:s2+s3], $0x80, v4, vm0, $0xb8;
	[tilespmem:$0x15080] =	vst v63  }
0x47: {  	s9 =	rddreg [dreg:$0xc];
	v3 =	vadd.s32 v1, v3  }
0x48: {  	[tilespmem:s9], [sflag:$0x1] =	stream.indirect_vreg.gather [hbm4b:s4+s3], $0x80, v4, vm0, $0xb8;
	[tilespmem:$0x15080] =	vst v63  }
0x49: {  	s1 =	rddreg [dreg:$0xd]  }
0x4a: {  	[tilespmem:s1], [sflag:$0x1] =	stream.indirect_vreg.gather [hbm4b:s5+s3], $0x80, v4, vm0, $0xb8;
	[tilespmem:$0x15080] =	vst v63  }
0x4b: {  	s9 =	rddreg [dreg:$0xe]  }
0x4c: {  	[tilespmem:s9], [sflag:$0x1] =	stream.indirect_vreg.gather [hbm4b:s2+s3], $0x80, v3, vm0, $0xb8;
	[tilespmem:$0x15080] =	vst v63  }
0x4d: {  	s1 =	rddreg [dreg:$0xf]  }
0x4e: {  	[tilespmem:s1], [sflag:$0x1] =	stream.indirect_vreg.gather [hbm4b:s4+s3], $0x80, v3, vm0, $0xb8;
	[tilespmem:$0x15080] =	vst v63  }
0x4f: {  	s9 =	rddreg [dreg:$0x10]  }
0x50: {  	[tilespmem:s9], [sflag:$0x1] =	stream.indirect_vreg.gather [hbm4b:s5+s3], $0x80, v3, vm0, $0xb8;
	[tilespmem:$0x15080] =	vst v63  }
0x51: {  	v3 =	vld [tilespmem:$0x20];
	_ =	sdelay $0x4  }
0x52: {  	v59 =	vshrl.u32 v3, $0x3  }
0x53: {  	v4 =	vmul.u32 $0x30, v59  }
0x54: {  	v3 =	vand.u32 $0x7, v3  }
0x55: {  	v3 =	vor.u32 v3, v4  }
0x56: {  	v4 =	vperm.xlane v3, v0;
	_ =	sdelay $0x1  }
0x57: {  	v4 =	vadd.s32 v1, v4;
	_ =	sdelay $0x3  }
0x58: {  	s1 =	rddreg [dreg:$0x11];
	v3 =	vperm.xlane v3, v2  }
0x59: {  	[tilespmem:s1], [sflag:$0x1] =	stream.indirect_vreg.gather [hbm4b:s2+s3], $0x80, v4, vm0, $0xb8;
	[tilespmem:$0x15080] =	vst v63  }
0x5a: {  	s9 =	rddreg [dreg:$0x12];
	v3 =	vadd.s32 v1, v3  }
0x5b: {  	[tilespmem:s9], [sflag:$0x1] =	stream.indirect_vreg.gather [hbm4b:s4+s3], $0x80, v4, vm0, $0xb8;
	[tilespmem:$0x15080] =	vst v63  }
0x5c: {  	s1 =	rddreg [dreg:$0x13]  }
0x5d: {  	[tilespmem:s1], [sflag:$0x1] =	stream.indirect_vreg.gather [hbm4b:s5+s3], $0x80, v4, vm0, $0xb8;
	[tilespmem:$0x15080] =	vst v63  }
0x5e: {  	s9 =	rddreg [dreg:$0x14]  }
0x5f: {  	[tilespmem:s9], [sflag:$0x1] =	stream.indirect_vreg.gather [hbm4b:s2+s3], $0x80, v3, vm0, $0xb8;
	[tilespmem:$0x15080] =	vst v63  }
0x60: {  	s1 =	rddreg [dreg:$0x15]  }
0x61: {  	[tilespmem:s1], [sflag:$0x1] =	stream.indirect_vreg.gather [hbm4b:s4+s3], $0x80, v3, vm0, $0xb8;
	[tilespmem:$0x15080] =	vst v63  }
0x62: {  	s9 =	rddreg [dreg:$0x16]  }
0x63: {  	[tilespmem:s9], [sflag:$0x1] =	stream.indirect_vreg.gather [hbm4b:s5+s3], $0x80, v3, vm0, $0xb8;
	[tilespmem:$0x15080] =	vst v63  }
0x64: {  	v3 =	vld [tilespmem:$0x30];
	_ =	sdelay $0x4  }
0x65: {  	v60 =	vshrl.u32 v3, $0x3  }
0x66: {  	v4 =	vmul.u32 $0x30, v60  }
0x67: {  	v3 =	vand.u32 $0x7, v3  }
0x68: {  	v3 =	vor.u32 v3, v4  }
0x69: {  	v4 =	vperm.xlane v3, v0;
	_ =	sdelay $0x1  }
0x6a: {  	v4 =	vadd.s32 v1, v4;
	_ =	sdelay $0x3  }
0x6b: {  	s1 =	rddreg [dreg:$0x17];
	v3 =	vperm.xlane v3, v2  }
0x6c: {  	[tilespmem:s1], [sflag:$0x1] =	stream.indirect_vreg.gather [hbm4b:s2+s3], $0x80, v4, vm0, $0xb8;
	[tilespmem:$0x15080] =	vst v63  }
0x6d: {  	s9 =	rddreg [dreg:$0x18];
	v3 =	vadd.s32 v1, v3  }
0x6e: {  	[tilespmem:s9], [sflag:$0x1] =	stream.indirect_vreg.gather [hbm4b:s4+s3], $0x80, v4, vm0, $0xb8;
	[tilespmem:$0x15080] =	vst v63  }
0x6f: {  	s9 =	simm.s32 $0xA080  }
0x70: {  	[tilespmem:s9], [sflag:$0x1] =	stream.indirect_vreg.gather [hbm4b:s5+s3], $0x80, v4, vm0, $0xb8;
	[tilespmem:$0x15080] =	vst v63  }
0x71: {  	_ = 	snop  }
0x72: {  	[tilespmem:s10], [sflag:$0x1] =	stream.indirect_vreg.gather [hbm4b:s2+s3], $0x80, v3, vm0, $0xb8;
	[tilespmem:$0x15080] =	vst v63  }
0x73: {  	_ = 	snop  }
0x74: {  	[tilespmem:s11], [sflag:$0x1] =	stream.indirect_vreg.gather [hbm4b:s4+s3], $0x80, v3, vm0, $0xb8;
	[tilespmem:$0x15080] =	vst v63  }
0x75: {  	_ = 	snop  }
0x76: {  	[tilespmem:s12], [sflag:$0x1] =	stream.indirect_vreg.gather [hbm4b:s5+s3], $0x80, v3, vm0, $0xb8;
	[tilespmem:$0x15080] =	vst v63  }
0x77: {  	v3 =	vld [tilespmem:$0x40];
	_ =	sdelay $0x4  }
0x78: {  	v61 =	vshrl.u32 v3, $0x3  }
0x79: {  	v4 =	vmul.u32 $0x30, v61  }
0x7a: {  	v3 =	vand.u32 $0x7, v3  }
0x7b: {  	v3 =	vor.u32 v3, v4  }
0x7c: {  	v4 =	vperm.xlane v3, v0;
	_ =	sdelay $0x1  }
0x7d: {  	v4 =	vadd.s32 v1, v4;
	_ =	sdelay $0x3  }
0x7e: {  	v3 =	vperm.xlane v3, v2  }
0x7f: {  	[tilespmem:s13], [sflag:$0x1] =	stream.indirect_vreg.gather [hbm4b:s2+s3], $0x80, v4, vm0, $0xb8;
	[tilespmem:$0x15080] =	vst v63  }
0x80: {  	v3 =	vadd.s32 v1, v3  }
0x81: {  	[tilespmem:s14], [sflag:$0x1] =	stream.indirect_vreg.gather [hbm4b:s4+s3], $0x80, v4, vm0, $0xb8;
	[tilespmem:$0x15080] =	vst v63  }
0x82: {  	_ = 	snop  }
0x83: {  	[tilespmem:s15], [sflag:$0x1] =	stream.indirect_vreg.gather [hbm4b:s5+s3], $0x80, v4, vm0, $0xb8;
	[tilespmem:$0x15080] =	vst v63  }
0x84: {  	_ = 	snop  }
0x85: {  	[tilespmem:s16], [sflag:$0x1] =	stream.indirect_vreg.gather [hbm4b:s2+s3], $0x80, v3, vm0, $0xb8;
	[tilespmem:$0x15080] =	vst v63  }
0x86: {  	_ = 	snop  }
0x87: {  	[tilespmem:s17], [sflag:$0x1] =	stream.indirect_vreg.gather [hbm4b:s4+s3], $0x80, v3, vm0, $0xb8;
	[tilespmem:$0x15080] =	vst v63  }
0x88: {  	_ = 	snop  }
0x89: {  	[tilespmem:s18], [sflag:$0x1] =	stream.indirect_vreg.gather [hbm4b:s5+s3], $0x80, v3, vm0, $0xb8;
	[tilespmem:$0x15080] =	vst v63  }
0x8a: {  	v3 =	vld [tilespmem:$0x50];
	_ =	sdelay $0x4  }
0x8b: {  	v62 =	vshrl.u32 v3, $0x3  }
0x8c: {  	v4 =	vmul.u32 $0x30, v62  }
0x8d: {  	v3 =	vand.u32 $0x7, v3  }
0x8e: {  	v3 =	vor.u32 v3, v4  }
0x8f: {  	v4 =	vperm.xlane v3, v0;
	_ =	sdelay $0x1  }
0x90: {  	v4 =	vadd.s32 v1, v4;
	_ =	sdelay $0x3  }
0x91: {  	v3 =	vperm.xlane v3, v2  }
0x92: {  	[tilespmem:s19], [sflag:$0x1] =	stream.indirect_vreg.gather [hbm4b:s2+s3], $0x80, v4, vm0, $0xb8;
	[tilespmem:$0x15080] =	vst v63  }
0x93: {  	v3 =	vadd.s32 v1, v3  }
0x94: {  	[tilespmem:s20], [sflag:$0x1] =	stream.indirect_vreg.gather [hbm4b:s4+s3], $0x80, v4, vm0, $0xb8;
	[tilespmem:$0x15080] =	vst v63  }
0x95: {  	_ = 	snop  }
0x96: {  	[tilespmem:s21], [sflag:$0x1] =	stream.indirect_vreg.gather [hbm4b:s5+s3], $0x80, v4, vm0, $0xb8;
	[tilespmem:$0x15080] =	vst v63  }
0x97: {  	_ = 	snop  }
0x98: {  	[tilespmem:s22], [sflag:$0x1] =	stream.indirect_vreg.gather [hbm4b:s2+s3], $0x80, v3, vm0, $0xb8;
	[tilespmem:$0x15080] =	vst v63  }
0x99: {  	_ = 	snop  }
0x9a: {  	[tilespmem:s23], [sflag:$0x1] =	stream.indirect_vreg.gather [hbm4b:s4+s3], $0x80, v3, vm0, $0xb8;
	[tilespmem:$0x15080] =	vst v63  }
0x9b: {  	_ = 	snop  }
0x9c: {  	[tilespmem:s24], [sflag:$0x1] =	stream.indirect_vreg.gather [hbm4b:s5+s3], $0x80, v3, vm0, $0xb8;
	[tilespmem:$0x15080] =	vst v63  }
0x9d: {  	v3 =	vld [tilespmem:$0x60];
	_ =	sdelay $0x4  }
0x9e: {  	v63 =	vshrl.u32 v3, $0x3  }
0x9f: {  	v4 =	vmul.u32 $0x30, v63  }
0xa0: {  	v3 =	vand.u32 $0x7, v3  }
0xa1: {  	v3 =	vor.u32 v3, v4  }
0xa2: {  	v4 =	vperm.xlane v3, v0;
	_ =	sdelay $0x1  }
0xa3: {  	v4 =	vadd.s32 v1, v4;
	_ =	sdelay $0x3  }
0xa4: {  	v3 =	vperm.xlane v3, v2  }
0xa5: {  	[tilespmem:s25], [sflag:$0x1] =	stream.indirect_vreg.gather [hbm4b:s2+s3], $0x80, v4, vm0, $0xb8;
	[tilespmem:$0x15080] =	vst v63  }
0xa6: {  	v3 =	vadd.s32 v1, v3  }
0xa7: {  	[tilespmem:s26], [sflag:$0x1] =	stream.indirect_vreg.gather [hbm4b:s4+s3], $0x80, v4, vm0, $0xb8;
	[tilespmem:$0x15080] =	vst v63  }
0xa8: {  	_ = 	snop  }
0xa9: {  	[tilespmem:s28], [sflag:$0x1] =	stream.indirect_vreg.gather [hbm4b:s5+s3], $0x80, v4, vm0, $0xb8;
	[tilespmem:$0x15080] =	vst v63  }
0xaa: {  	_ = 	snop  }
0xab: {  	[tilespmem:s29], [sflag:$0x1] =	stream.indirect_vreg.gather [hbm4b:s2+s3], $0x80, v3, vm0, $0xb8;
	[tilespmem:$0x15080] =	vst v63  }
0xac: {  	_ = 	snop  }
0xad: {  	[tilespmem:s30], [sflag:$0x1] =	stream.indirect_vreg.gather [hbm4b:s4+s3], $0x80, v3, vm0, $0xb8;
	[tilespmem:$0x15080] =	vst v63  }
0xae: {  	_ = 	snop  }
0xaf: {  	[tilespmem:s31], [sflag:$0x1] =	stream.indirect_vreg.gather [hbm4b:s5+s3], $0x80, v3, vm0, $0xb8;
	[tilespmem:$0x15080] =	vst v63  }
0xb0: {  	_ =	swait.ge [sflag:s0], $0x15000  }
0xb1: {  	p0 =	sne.s32 s6, $0x1;
	[sflag:s0] =	ssyncset.done $0x0  }
.Ltmp1:
0xb2: {  	s9 =	rddreg [dreg:$0x4];
	[sflag:s0] =	ssyncadd.s32 $0xFFFEB000;
	(pc) =	sbr.rel @p0 .LBB2_2-.Ltmp1, $4  }
0xb3: {  	[hbm4b:s9+s3] =	stream.linear.scatter [tilespmem:s8], [sflag:$0x2], $0x15000, $0x38;
	[tilespmem:$0x15080] =	vst v63  }
0xb4: {  	_ =	swait.ge [sflag:s7], $0x15000  }
0xb5: {  	[sflag:s7] =	ssyncset.done $0x0  }
0xb6: {  	s6 =	sadd.s32 $0xFFFFFFFF, s6;
	[sflag:s7] =	ssyncadd.s32 $0xFFFEB000  }
.LBB2_3:
0xb7: {  	_ =	sfence.sel $0x180000  }
0xb8: {  	[bflag:$0x0] =	sbarrier.arrive $0xFFFF  }
0xb9: {  	_ =	strace $0x90000047  }
0xba: {  	s0 =	stileid.u32;
	[bflag:$0x2] =	sbarrier.arrive $0xFFFF  }
0xbb: {  	p0 =	sne.s32 s0, $0x0;
	s0 =	rddreg [dreg:$0x3]  }
0xbc: {  	s0 =	sadd.s32 @!p0 $0x100000, s0  }
0xbd: {  	[sflag:s0] =	ssyncadd.tile.s32 @!p0 $0x1;
	_ =	shalt  }
.Lfunc_end2:
_tile_overlayer_lowered:
.L_overlay_start_2:
0xbe: {  	(tag) =	ssettag $0x2  }
0xbf: {  	s0 =	rddreg [dreg:$0x0];
	s2 =	stileid.u32  }
0xc0: {  	s1 =	rddreg [dreg:$0x1];
	p0 =	sne.s32 s2, $0x0  }
0xc1: {  	s3 =	rddreg [dreg:$0x2];
	[bflag:$0x3] =	sbarrier.arrive $0xFFFF;
	s2 =	simm.s32 @!p0 $0x1C02  }
0xc2: {  	[timem:s3], [sflag:s2] =	dma.local @!p0 [hbm:s0], s1  }
0xc3: {  	s0 =	simm.s32 @!p0 $0x2  }
0xc4: {  	_ =	swait.ge @!p0 [sflag:s0], s1  }
0xc5: {  	s1 =	ssub.s32 @!p0 $0x0, s1;
	[sflag:s0] =	ssyncset.done @!p0 $0x0  }
0xc6: {  	[sflag:s0] =	ssyncadd.s32 @!p0 s1  }
0xc7: {  	[bflag:$0x3] =	sbarrier.arrive $0xFFFF  }
0xc8: {  	_ =	shalt  }

</sc_bundles>
